<compile_context>
chip_gen: v7x
topology: tpu7x:2x2x1
jax: 0.10.2.dev20260603
libtpu: 0.0.44.dev20260713+nightly
codegen_flags: <defaults>
</compile_context>

<pallas_src>
import functools

import jax
import jax.numpy as jnp
from jax import lax
from jax.experimental import pallas as pl
from jax.experimental.pallas import tpu as pltpu
from jax.experimental.pallas import tpu_sc as plsc

B = 1024
T = 200
EMB_D = 64
EMB_P = 128
U = 128

_NC = 2
_NS = 16
_NW = _NC * _NS


def _sc_gather(table, idx):
    n = idx.shape[0]
    d = table.shape[1]
    per_w = n // _NW
    chunk = 400
    n_chunks = per_w // chunk
    mesh = plsc.VectorSubcoreMesh(core_axis_name="c", subcore_axis_name="s")

    @functools.partial(
        pl.kernel,
        mesh=mesh,
        out_type=jax.ShapeDtypeStruct((n, d), jnp.float32),
        scratch_types=[
            pltpu.VMEM((per_w,), jnp.int32),
            pltpu.VMEM((chunk, d), jnp.float32),
            pltpu.VMEM((chunk, d), jnp.float32),
            pltpu.SemaphoreType.DMA,
            pltpu.SemaphoreType.DMA,
        ],
    )
    def k(table_hbm, idx_hbm, out_hbm, idx_v, rows_a, rows_b, sem_a, sem_b):
        wid = lax.axis_index("s") * _NC + lax.axis_index("c")
        base = wid * per_w
        pltpu.sync_copy(idx_hbm.at[pl.ds(base, per_w)], idx_v)
        bufs = (rows_a, rows_b)
        sems = (sem_a, sem_b)
        cps = [None, None]
        for c in range(n_chunks):
            s = c % 2
            cps[s] = pltpu.async_copy(
                table_hbm.at[idx_v.at[pl.ds(c * chunk, chunk)]], bufs[s], sems[s])
            if c > 0:
                cps[1 - s].wait()
                pltpu.sync_copy(bufs[1 - s],
                                out_hbm.at[pl.ds(base + (c - 1) * chunk, chunk)])
        cps[(n_chunks - 1) % 2].wait()
        pltpu.sync_copy(bufs[(n_chunks - 1) % 2],
                        out_hbm.at[pl.ds(base + (n_chunks - 1) * chunk, chunk)])

    return k(table, idx)


def _cell(x_ref, xc_s, c_bf, Wcat_ref, b_ref):
    xc_s[:, :EMB_P] = x_ref[0].astype(jnp.bfloat16)
    z = jnp.dot(xc_s[...], Wcat_ref[...],
                preferred_element_type=jnp.float32).astype(jnp.bfloat16)
    z = z + b_ref[...]
    half = jnp.bfloat16(0.5)
    i = half * jnp.tanh(z[:, :U]) + half
    f = half * jnp.tanh(z[:, U:2 * U]) + half
    g = jnp.tanh(z[:, 2 * U:3 * U])
    o = half * jnp.tanh(z[:, 3 * U:]) + half
    c2 = f * c_bf + i * g
    h2 = o * jnp.tanh(c2)
    xc_s[:, EMB_P:] = h2
    return h2, c2


def _scan_body(xf_ref, xb_ref, Wf_ref, bf_ref, Wb_ref, bb_ref,
               hf_out, hb_out, ht_out, xcf_s, cf_s, xcb_s, cb_s):
    t = pl.program_id(0)

    @pl.when(t == 0)
    def _init():
        xcf_s[:, EMB_P:] = jnp.zeros((B, U), jnp.bfloat16)
        cf_s[...] = jnp.zeros_like(cf_s)
        xcb_s[:, EMB_P:] = jnp.zeros((B, U), jnp.bfloat16)
        cb_s[...] = jnp.zeros_like(cb_s)

    h2f, c2f = _cell(xf_ref, xcf_s, cf_s[...], Wf_ref, bf_ref)
    h2b, c2b = _cell(xb_ref, xcb_s, cb_s[...], Wb_ref, bb_ref)
    cf_s[...] = c2f
    cb_s[...] = c2b
    hf_out[0] = h2f
    hb_out[0] = h2b

    @pl.when(t == 0)
    def _ht0():
        ht_out[:, :U] = h2f
        ht_out[:, U:] = h2b

    @pl.when(t > 0)
    def _htn():
        ht_out[:, :U] = jnp.maximum(ht_out[:, :U], h2f)
        ht_out[:, U:] = jnp.maximum(ht_out[:, U:], h2b)


def _bilstm(x, Wcf, bf, Wcb, bb):
    grid = (T,)
    return pl.pallas_call(
        _scan_body,
        grid=grid,
        in_specs=[
            pl.BlockSpec((1, B, EMB_P), lambda t: (t, 0, 0)),
            pl.BlockSpec((1, B, EMB_P), lambda t: (T - 1 - t, 0, 0)),
            pl.BlockSpec((EMB_P + U, 4 * U), lambda t: (0, 0)),
            pl.BlockSpec((1, 4 * U), lambda t: (0, 0)),
            pl.BlockSpec((EMB_P + U, 4 * U), lambda t: (0, 0)),
            pl.BlockSpec((1, 4 * U), lambda t: (0, 0)),
        ],
        out_specs=[
            pl.BlockSpec((1, B, U), lambda t: (t, 0, 0)),
            pl.BlockSpec((1, B, U), lambda t: (T - 1 - t, 0, 0)),
            pl.BlockSpec((B, 2 * U), lambda t: (0, 0)),
        ],
        out_shape=[
            jax.ShapeDtypeStruct((T, B, U), jnp.bfloat16),
            jax.ShapeDtypeStruct((T, B, U), jnp.bfloat16),
            jax.ShapeDtypeStruct((B, 2 * U), jnp.bfloat16),
        ],
        scratch_shapes=[
            pltpu.VMEM((B, EMB_P + U), jnp.bfloat16),
            pltpu.VMEM((B, U), jnp.bfloat16),
            pltpu.VMEM((B, EMB_P + U), jnp.bfloat16),
            pltpu.VMEM((B, U), jnp.bfloat16),
        ],
        compiler_params=pltpu.CompilerParams(
            dimension_semantics=("arbitrary",)),
    )(x, x, Wcf, bf.reshape(1, -1).astype(jnp.bfloat16),
      Wcb, bb.reshape(1, -1).astype(jnp.bfloat16))


TW = 8


def _attn_body(hf_ref, hb_ref, ht_ref, ones_ref, Wv_ref, Wd_ref, bd_ref,
               out_ref, S_s, Cf_s, Cb_s, q_s):
    tb = pl.program_id(0)

    @pl.when(tb == 0)
    def _zero():
        S_s[...] = jnp.zeros_like(S_s)
        Cf_s[...] = jnp.zeros_like(Cf_s)
        Cb_s[...] = jnp.zeros_like(Cb_s)

    es, hfs, hbs = [], [], []
    for k in range(TW):
        hfk = hf_ref[k]
        hbk = hb_ref[k]
        q_s[:, :U] = hfk * ht_ref[:, :U]
        q_s[:, U:] = hbk * ht_ref[:, U:]
        s = jnp.dot(q_s[...], ones_ref[...],
                    preferred_element_type=jnp.float32)
        es.append(jnp.exp(jnp.minimum(s, 80.0)))
        hfs.append(hfk.astype(jnp.float32))
        hbs.append(hbk.astype(jnp.float32))

    S_s[...] = S_s[...] + sum(es)
    Cf_s[...] = Cf_s[...] + sum(e * h for e, h in zip(es, hfs))
    Cb_s[...] = Cb_s[...] + sum(e * h for e, h in zip(es, hbs))

    @pl.when(tb == T // TW - 1)
    def _head():
        htf = ht_ref[:, :U].astype(jnp.float32)
        htb = ht_ref[:, U:].astype(jnp.float32)
        inv = 1.0 / S_s[...]
        ctxf = Cf_s[...] * inv
        ctxb = Cb_s[...] * inv
        z1 = jnp.tanh(
            jnp.dot(ctxf, Wv_ref[:U, :], preferred_element_type=jnp.float32)
            + jnp.dot(ctxb, Wv_ref[U:2 * U, :], preferred_element_type=jnp.float32)
            + jnp.dot(htf, Wv_ref[2 * U:3 * U, :], preferred_element_type=jnp.float32)
            + jnp.dot(htb, Wv_ref[3 * U:, :], preferred_element_type=jnp.float32))
        logits = (jnp.dot(z1, Wd_ref[...], preferred_element_type=jnp.float32)
                  + bd_ref[...])
        mx = jnp.max(logits, axis=1, keepdims=True)
        ex = jnp.exp(logits - mx)
        out_ref[...] = ex / jnp.sum(ex, axis=1, keepdims=True)


def _attention(hf, hb, ht, Wv, Wd, bd):
    grid = (T // TW,)
    ones = jnp.ones((2 * U, U), jnp.bfloat16)
    return pl.pallas_call(
        _attn_body,
        grid=grid,
        in_specs=[
            pl.BlockSpec((TW, B, U), lambda t: (t, 0, 0)),
            pl.BlockSpec((TW, B, U), lambda t: (t, 0, 0)),
            pl.BlockSpec((B, 2 * U), lambda t: (0, 0)),
            pl.BlockSpec((2 * U, U), lambda t: (0, 0)),
            pl.BlockSpec((4 * U, U), lambda t: (0, 0)),
            pl.BlockSpec((U, 2), lambda t: (0, 0)),
            pl.BlockSpec((1, 2), lambda t: (0, 0)),
        ],
        out_specs=pl.BlockSpec((B, 2), lambda t: (0, 0)),
        out_shape=jax.ShapeDtypeStruct((B, 2), jnp.float32),
        scratch_shapes=[
            pltpu.VMEM((B, U), jnp.float32),
            pltpu.VMEM((B, U), jnp.float32),
            pltpu.VMEM((B, U), jnp.float32),
            pltpu.VMEM((B, 2 * U), jnp.bfloat16),
        ],
        compiler_params=pltpu.CompilerParams(
            dimension_semantics=("arbitrary",)),
    )(hf, hb, ht, ones, Wv, Wd, bd.reshape(1, -1))


def kernel(inputs, emb, Wf, Uf, bf, Wb, Ub, bb, Wv, Wd, bd):
    idx = jnp.swapaxes(inputs.astype(jnp.int32), 0, 1).reshape(-1)
    pad = EMB_P - EMB_D
    emb_p = jnp.pad(emb, ((0, 0), (0, pad)))
    gate_scale = jnp.concatenate(
        [jnp.full((2 * U,), 0.5), jnp.ones((U,)), jnp.full((U,), 0.5)]
    ).astype(jnp.float32)
    Wcf = (jnp.concatenate([jnp.pad(Wf, ((0, pad), (0, 0))), Uf], axis=0)
           * gate_scale).astype(jnp.bfloat16)
    Wcb = (jnp.concatenate([jnp.pad(Wb, ((0, pad), (0, 0))), Ub], axis=0)
           * gate_scale).astype(jnp.bfloat16)
    x = _sc_gather(emb_p, idx).reshape(T, B, EMB_P)
    hf, hb, ht = _bilstm(x, Wcf, bf * gate_scale, Wcb, bb * gate_scale)
    out = _attention(hf, hb, ht, Wv, Wd, bd)
    return out

# --- scband reference (transcript-rebuilt; emitter-appended) ---
"""Pipeline reference for scband-lstm-attention-classification-61375082660142 (READ-ONLY COPY).

The authoritative reference and input builder live on the scoring server;
editing this copy changes nothing except your own understanding.
"""

import jax, jax.numpy as jnp
import numpy as np

VOCAB = 20000
EMB = 64
UNITS = 128


def _lstm_scan(x_tbd, W, Uk, b):
    # x_tbd: [T, B, D]; Keras LSTM gate order: i, f, c(g), o
    B = x_tbd.shape[1]
    u = Uk.shape[0]

    def cell(carry, xt):
        h, c = carry
        z = xt @ W + h @ Uk + b
        i = jax.nn.sigmoid(z[:, :u])
        f = jax.nn.sigmoid(z[:, u:2 * u])
        g = jnp.tanh(z[:, 2 * u:3 * u])
        o = jax.nn.sigmoid(z[:, 3 * u:])
        c2 = f * c + i * g
        h2 = o * jnp.tanh(c2)
        return (h2, c2), h2

    h0 = jnp.zeros((B, u), x_tbd.dtype)
    c0 = jnp.zeros((B, u), x_tbd.dtype)
    _, hs = jax.lax.scan(cell, (h0, c0), x_tbd)
    return hs  # [T, B, u]


def setup_inputs(seed: int = 0) -> dict:
    key = jax.random.key(seed)
    ks = [jax.random.fold_in(key, i) for i in range(12)]
    B, T = 1024, 200
    inputs = jax.random.randint(ks[0], (B, T), 0, VOCAB, dtype=jnp.int64 if jax.config.jax_enable_x64 else jnp.int32)
    s = 0.05
    emb = jax.random.normal(ks[1], (VOCAB, EMB), dtype=jnp.float32) * s
    Wf = jax.random.normal(ks[2], (EMB, 4 * UNITS), dtype=jnp.float32) * s
    Uf = jax.random.normal(ks[3], (UNITS, 4 * UNITS), dtype=jnp.float32) * s
    bf = jnp.zeros((4 * UNITS,), dtype=jnp.float32)
    Wb = jax.random.normal(ks[4], (EMB, 4 * UNITS), dtype=jnp.float32) * s
    Ub = jax.random.normal(ks[5], (UNITS, 4 * UNITS), dtype=jnp.float32) * s
    bb = jnp.zeros((4 * UNITS,), dtype=jnp.float32)
    Wv = jax.random.normal(ks[6], (4 * UNITS, UNITS), dtype=jnp.float32) * s  # Dense(128, tanh, no bias) on 512-dim input
    Wd = jax.random.normal(ks[7], (UNITS, 2), dtype=jnp.float32) * s
    bd = jnp.zeros((2,), dtype=jnp.float32)
    return {"inputs": inputs, "emb": emb, "Wf": Wf, "Uf": Uf, "bf": bf,
            "Wb": Wb, "Ub": Ub, "bb": bb, "Wv": Wv, "Wd": Wd, "bd": bd}


def reference(inputs, emb, Wf, Uf, bf, Wb, Ub, bb, Wv, Wd, bd):
    x = jnp.take(emb, inputs, axis=0)            # [B, T, 64]
    xt = jnp.swapaxes(x, 0, 1)                   # [T, B, 64]
    hf = _lstm_scan(xt, Wf, Uf, bf)              # [T, B, 128]
    hb = _lstm_scan(xt[::-1], Wb, Ub, bb)[::-1]  # [T, B, 128]
    h = jnp.concatenate([hf, hb], axis=-1)       # [T, B, 256]
    h = jnp.swapaxes(h, 0, 1)                    # [B, T, 256]
    ht = jnp.max(h, axis=1)                      # GlobalMaxPooling1D -> [B, 256]
    score = jnp.einsum('btd,bd->bt', h, ht)      # dot axes [2,1]
    aw = jax.nn.softmax(score, axis=-1)
    ctx = jnp.einsum('btd,bt->bd', h, aw)        # dot axes [1,1]
    pre = jnp.concatenate([ctx, ht], axis=-1)    # [B, 512]
    z = jnp.tanh(pre @ Wv)                       # Dense(128, tanh, no bias)
    out = jax.nn.softmax(z @ Wd + bd, axis=-1)   # Dense(2, softmax)
    return out

if __name__ == "__main__":
    import jax
    _d = setup_inputs()
    print(jax.jit(kernel)(*tuple(_d.values())))

</pallas_src>

<mosaic_0001>
#map = affine_map<(d0, d1) -> (0, 0)>
#map1 = affine_map<(d0, d1) -> (0)>
module attributes {stable_mosaic.version = 14 : i64} {
  func.func @k(%arg0: i32, %arg1: i32, %arg2: memref<20000x128xf32, #tpu.memory_space<hbm>>, %arg3: memref<204800xi32, #tpu.memory_space<hbm>>, %arg4: memref<204800x128xf32, #tpu.memory_space<hbm>>, %arg5: memref<6400xi32, #tpu.memory_space<vmem>>, %arg6: memref<400x128xf32, #tpu.memory_space<vmem>>, %arg7: memref<400x128xf32, #tpu.memory_space<vmem>>, %arg8: memref<!tpu.dma_semaphore, #tpu.memory_space<semaphore_mem>>, %arg9: memref<!tpu.dma_semaphore, #tpu.memory_space<semaphore_mem>>) attributes {dimension_semantics = [#tpu.dimension_semantics<core_parallel>, #tpu.dimension_semantics<subcore_parallel>], iteration_bounds = array<i64: 2, 16>, scalar_prefetch = 0 : i64, scratch_operands = 5 : i64, tpu.core_type = #tpu.core_type<sc_vector_subcore>, window_params = [{transform_indices = #map}, {transform_indices = #map1}, {transform_indices = #map}]} {
    %mul3A = arith.constant 2 : i32
    %mul3A_0 = arith.muli %arg1, %mul3A : i32
    %add3A = arith.addi %mul3A_0, %arg0 : i32
    %mul3A_1 = arith.constant 6400 : i32
    %mul3A_2 = arith.muli %add3A, %mul3A_1 : i32
    "tpu.region"() ({
      %run_scoped3A = tpu.sem_alloc : memref<!tpu.dma_semaphore, #tpu.memory_space<semaphore_mem>>
      %dma_start3A_193 = tpu.memref_slice %arg3[%mul3A_2] : memref<204800xi32, #tpu.memory_space<hbm>> -> memref<6400xi32, #tpu.memory_space<hbm>>
      %dma_start3A_194 = tpu.memref_slice %arg3[%mul3A_2] : memref<204800xi32, #tpu.memory_space<hbm>> -> memref<6400xi32, #tpu.memory_space<hbm>>
      tpu.enqueue_dma source(%dma_start3A_194 : memref<6400xi32, #tpu.memory_space<hbm>>) target(%arg5 : memref<6400xi32, #tpu.memory_space<vmem>>) target_semaphore(%run_scoped3A : memref<!tpu.dma_semaphore, #tpu.memory_space<semaphore_mem>>)
      %dma_wait3A_195 = tpu.memref_slice %arg3[%mul3A_2] : memref<204800xi32, #tpu.memory_space<hbm>> -> memref<6400xi32, #tpu.memory_space<hbm>>
      %dma_wait3A_196 = tpu.memref_slice %arg3[%mul3A_2] : memref<204800xi32, #tpu.memory_space<hbm>> -> memref<6400xi32, #tpu.memory_space<hbm>>
      tpu.wait_dma2 semaphore(%run_scoped3A : memref<!tpu.dma_semaphore, #tpu.memory_space<semaphore_mem>>) src(%dma_wait3A_196 : memref<6400xi32, #tpu.memory_space<hbm>>) dst(%arg5 : memref<6400xi32, #tpu.memory_space<vmem>>)
      tpu.yield
    }) : () -> ()
    %dma_start3A = arith.constant 0 : i32
    %dma_start3A_3 = tpu.memref_slice %arg5[%dma_start3A] : memref<6400xi32, #tpu.memory_space<vmem>> -> memref<400xi32, #tpu.memory_space<vmem>>
    %dma_start3A_4 = arith.constant 0 : i32
    %dma_start3A_5 = arith.constant 0 : i32
    %dma_start3A_6 = tpu.memref_slice %arg2[%dma_start3A_4, %dma_start3A_5] : memref<20000x128xf32, #tpu.memory_space<hbm>> -> memref<20000x128xf32, #tpu.memory_space<hbm>>
    tpu.enqueue_indirect_dma source(%dma_start3A_6 : memref<20000x128xf32, #tpu.memory_space<hbm>>) target(%arg6 : memref<400x128xf32, #tpu.memory_space<vmem>>) offsets(%dma_start3A_3 : memref<400xi32, #tpu.memory_space<vmem>>) semaphore(%arg8 : memref<!tpu.dma_semaphore, #tpu.memory_space<semaphore_mem>>)
    %dma_start3A_7 = arith.constant 400 : i32
    %dma_start3A_8 = tpu.memref_slice %arg5[%dma_start3A_7] : memref<6400xi32, #tpu.memory_space<vmem>> -> memref<400xi32, #tpu.memory_space<vmem>>
    %dma_start3A_9 = arith.constant 0 : i32
    %dma_start3A_10 = arith.constant 0 : i32
    %dma_start3A_11 = tpu.memref_slice %arg2[%dma_start3A_9, %dma_start3A_10] : memref<20000x128xf32, #tpu.memory_space<hbm>> -> memref<20000x128xf32, #tpu.memory_space<hbm>>
    tpu.enqueue_indirect_dma source(%dma_start3A_11 : memref<20000x128xf32, #tpu.memory_space<hbm>>) target(%arg7 : memref<400x128xf32, #tpu.memory_space<vmem>>) offsets(%dma_start3A_8 : memref<400xi32, #tpu.memory_space<vmem>>) semaphore(%arg9 : memref<!tpu.dma_semaphore, #tpu.memory_space<semaphore_mem>>)
    %dma_wait3A = arith.constant 0 : i32
    %dma_wait3A_12 = tpu.memref_slice %arg5[%dma_wait3A] : memref<6400xi32, #tpu.memory_space<vmem>> -> memref<400xi32, #tpu.memory_space<vmem>>
    %dma_wait3A_13 = arith.constant 0 : i32
    %dma_wait3A_14 = arith.constant 0 : i32
    %dma_wait3A_15 = tpu.memref_slice %arg2[%dma_wait3A_13, %dma_wait3A_14] : memref<20000x128xf32, #tpu.memory_space<hbm>> -> memref<20000x128xf32, #tpu.memory_space<hbm>>
    tpu.wait_indirect_dma semaphore(%arg8 : memref<!tpu.dma_semaphore, #tpu.memory_space<semaphore_mem>>) src(%dma_wait3A_15 : memref<20000x128xf32, #tpu.memory_space<hbm>>) dst(%arg6 : memref<400x128xf32, #tpu.memory_space<vmem>>)
    %add3A_16 = arith.constant 0 : i32
    %add3A_17 = arith.addi %mul3A_2, %add3A_16 : i32
    "tpu.region"() ({
      %run_scoped3A = tpu.sem_alloc : memref<!tpu.dma_semaphore, #tpu.memory_space<semaphore_mem>>
      %dma_start3A_193 = arith.constant 0 : i32
      %dma_start3A_194 = tpu.memref_slice %arg4[%add3A_17, %dma_start3A_193] : memref<204800x128xf32, #tpu.memory_space<hbm>> -> memref<400x128xf32, #tpu.memory_space<hbm>>
      %dma_start3A_195 = arith.constant 0 : i32
      %dma_start3A_196 = tpu.memref_slice %arg4[%add3A_17, %dma_start3A_195] : memref<204800x128xf32, #tpu.memory_space<hbm>> -> memref<400x128xf32, #tpu.memory_space<hbm>>
      tpu.enqueue_dma source(%arg6 : memref<400x128xf32, #tpu.memory_space<vmem>>) target(%dma_start3A_196 : memref<400x128xf32, #tpu.memory_space<hbm>>) target_semaphore(%run_scoped3A : memref<!tpu.dma_semaphore, #tpu.memory_space<semaphore_mem>>)
      %dma_wait3A_197 = arith.constant 0 : i32
      %dma_wait3A_198 = tpu.memref_slice %arg4[%add3A_17, %dma_wait3A_197] : memref<204800x128xf32, #tpu.memory_space<hbm>> -> memref<400x128xf32, #tpu.memory_space<hbm>>
      %dma_wait3A_199 = arith.constant 0 : i32
      %dma_wait3A_200 = tpu.memref_slice %arg4[%add3A_17, %dma_wait3A_199] : memref<204800x128xf32, #tpu.memory_space<hbm>> -> memref<400x128xf32, #tpu.memory_space<hbm>>
      tpu.wait_dma2 semaphore(%run_scoped3A : memref<!tpu.dma_semaphore, #tpu.memory_space<semaphore_mem>>) src(%arg6 : memref<400x128xf32, #tpu.memory_space<vmem>>) dst(%dma_wait3A_200 : memref<400x128xf32, #tpu.memory_space<hbm>>)
      tpu.yield
    }) : () -> ()
    %dma_start3A_18 = arith.constant 800 : i32
    %dma_start3A_19 = tpu.memref_slice %arg5[%dma_start3A_18] : memref<6400xi32, #tpu.memory_space<vmem>> -> memref<400xi32, #tpu.memory_space<vmem>>
    %dma_start3A_20 = arith.constant 0 : i32
    %dma_start3A_21 = arith.constant 0 : i32
    %dma_start3A_22 = tpu.memref_slice %arg2[%dma_start3A_20, %dma_start3A_21] : memref<20000x128xf32, #tpu.memory_space<hbm>> -> memref<20000x128xf32, #tpu.memory_space<hbm>>
    tpu.enqueue_indirect_dma source(%dma_start3A_22 : memref<20000x128xf32, #tpu.memory_space<hbm>>) target(%arg6 : memref<400x128xf32, #tpu.memory_space<vmem>>) offsets(%dma_start3A_19 : memref<400xi32, #tpu.memory_space<vmem>>) semaphore(%arg8 : memref<!tpu.dma_semaphore, #tpu.memory_space<semaphore_mem>>)
    %dma_wait3A_23 = arith.constant 400 : i32
    %dma_wait3A_24 = tpu.memref_slice %arg5[%dma_wait3A_23] : memref<6400xi32, #tpu.memory_space<vmem>> -> memref<400xi32, #tpu.memory_space<vmem>>
    %dma_wait3A_25 = arith.constant 0 : i32
    %dma_wait3A_26 = arith.constant 0 : i32
    %dma_wait3A_27 = tpu.memref_slice %arg2[%dma_wait3A_25, %dma_wait3A_26] : memref<20000x128xf32, #tpu.memory_space<hbm>> -> memref<20000x128xf32, #tpu.memory_space<hbm>>
    tpu.wait_indirect_dma semaphore(%arg9 : memref<!tpu.dma_semaphore, #tpu.memory_space<semaphore_mem>>) src(%dma_wait3A_27 : memref<20000x128xf32, #tpu.memory_space<hbm>>) dst(%arg7 : memref<400x128xf32, #tpu.memory_space<vmem>>)
    %add3A_28 = arith.constant 400 : i32
    %add3A_29 = arith.addi %mul3A_2, %add3A_28 : i32
    "tpu.region"() ({
      %run_scoped3A = tpu.sem_alloc : memref<!tpu.dma_semaphore, #tpu.memory_space<semaphore_mem>>
      %dma_start3A_193 = arith.constant 0 : i32
      %dma_start3A_194 = tpu.memref_slice %arg4[%add3A_29, %dma_start3A_193] : memref<204800x128xf32, #tpu.memory_space<hbm>> -> memref<400x128xf32, #tpu.memory_space<hbm>>
      %dma_start3A_195 = arith.constant 0 : i32
      %dma_start3A_196 = tpu.memref_slice %arg4[%add3A_29, %dma_start3A_195] : memref<204800x128xf32, #tpu.memory_space<hbm>> -> memref<400x128xf32, #tpu.memory_space<hbm>>
      tpu.enqueue_dma source(%arg7 : memref<400x128xf32, #tpu.memory_space<vmem>>) target(%dma_start3A_196 : memref<400x128xf32, #tpu.memory_space<hbm>>) target_semaphore(%run_scoped3A : memref<!tpu.dma_semaphore, #tpu.memory_space<semaphore_mem>>)
      %dma_wait3A_197 = arith.constant 0 : i32
      %dma_wait3A_198 = tpu.memref_slice %arg4[%add3A_29, %dma_wait3A_197] : memref<204800x128xf32, #tpu.memory_space<hbm>> -> memref<400x128xf32, #tpu.memory_space<hbm>>
      %dma_wait3A_199 = arith.constant 0 : i32
      %dma_wait3A_200 = tpu.memref_slice %arg4[%add3A_29, %dma_wait3A_199] : memref<204800x128xf32, #tpu.memory_space<hbm>> -> memref<400x128xf32, #tpu.memory_space<hbm>>
      tpu.wait_dma2 semaphore(%run_scoped3A : memref<!tpu.dma_semaphore, #tpu.memory_space<semaphore_mem>>) src(%arg7 : memref<400x128xf32, #tpu.memory_space<vmem>>) dst(%dma_wait3A_200 : memref<400x128xf32, #tpu.memory_space<hbm>>)
      tpu.yield
    }) : () -> ()
    %dma_start3A_30 = arith.constant 1200 : i32
    %dma_start3A_31 = tpu.memref_slice %arg5[%dma_start3A_30] : memref<6400xi32, #tpu.memory_space<vmem>> -> memref<400xi32, #tpu.memory_space<vmem>>
    %dma_start3A_32 = arith.constant 0 : i32
    %dma_start3A_33 = arith.constant 0 : i32
    %dma_start3A_34 = tpu.memref_slice %arg2[%dma_start3A_32, %dma_start3A_33] : memref<20000x128xf32, #tpu.memory_space<hbm>> -> memref<20000x128xf32, #tpu.memory_space<hbm>>
    tpu.enqueue_indirect_dma source(%dma_start3A_34 : memref<20000x128xf32, #tpu.memory_space<hbm>>) target(%arg7 : memref<400x128xf32, #tpu.memory_space<vmem>>) offsets(%dma_start3A_31 : memref<400xi32, #tpu.memory_space<vmem>>) semaphore(%arg9 : memref<!tpu.dma_semaphore, #tpu.memory_space<semaphore_mem>>)
    %dma_wait3A_35 = arith.constant 800 : i32
    %dma_wait3A_36 = tpu.memref_slice %arg5[%dma_wait3A_35] : memref<6400xi32, #tpu.memory_space<vmem>> -> memref<400xi32, #tpu.memory_space<vmem>>
    %dma_wait3A_37 = arith.constant 0 : i32
    %dma_wait3A_38 = arith.constant 0 : i32
    %dma_wait3A_39 = tpu.memref_slice %arg2[%dma_wait3A_37, %dma_wait3A_38] : memref<20000x128xf32, #tpu.memory_space<hbm>> -> memref<20000x128xf32, #tpu.memory_space<hbm>>
    tpu.wait_indirect_dma semaphore(%arg8 : memref<!tpu.dma_semaphore, #tpu.memory_space<semaphore_mem>>) src(%dma_wait3A_39 : memref<20000x128xf32, #tpu.memory_space<hbm>>) dst(%arg6 : memref<400x128xf32, #tpu.memory_space<vmem>>)
    %add3A_40 = arith.constant 800 : i32
    %add3A_41 = arith.addi %mul3A_2, %add3A_40 : i32
    "tpu.region"() ({
      %run_scoped3A = tpu.sem_alloc : memref<!tpu.dma_semaphore, #tpu.memory_space<semaphore_mem>>
      %dma_start3A_193 = arith.constant 0 : i32
      %dma_start3A_194 = tpu.memref_slice %arg4[%add3A_41, %dma_start3A_193] : memref<204800x128xf32, #tpu.memory_space<hbm>> -> memref<400x128xf32, #tpu.memory_space<hbm>>
      %dma_start3A_195 = arith.constant 0 : i32
      %dma_start3A_196 = tpu.memref_slice %arg4[%add3A_41, %dma_start3A_195] : memref<204800x128xf32, #tpu.memory_space<hbm>> -> memref<400x128xf32, #tpu.memory_space<hbm>>
      tpu.enqueue_dma source(%arg6 : memref<400x128xf32, #tpu.memory_space<vmem>>) target(%dma_start3A_196 : memref<400x128xf32, #tpu.memory_space<hbm>>) target_semaphore(%run_scoped3A : memref<!tpu.dma_semaphore, #tpu.memory_space<semaphore_mem>>)
      %dma_wait3A_197 = arith.constant 0 : i32
      %dma_wait3A_198 = tpu.memref_slice %arg4[%add3A_41, %dma_wait3A_197] : memref<204800x128xf32, #tpu.memory_space<hbm>> -> memref<400x128xf32, #tpu.memory_space<hbm>>
      %dma_wait3A_199 = arith.constant 0 : i32
      %dma_wait3A_200 = tpu.memref_slice %arg4[%add3A_41, %dma_wait3A_199] : memref<204800x128xf32, #tpu.memory_space<hbm>> -> memref<400x128xf32, #tpu.memory_space<hbm>>
      tpu.wait_dma2 semaphore(%run_scoped3A : memref<!tpu.dma_semaphore, #tpu.memory_space<semaphore_mem>>) src(%arg6 : memref<400x128xf32, #tpu.memory_space<vmem>>) dst(%dma_wait3A_200 : memref<400x128xf32, #tpu.memory_space<hbm>>)
      tpu.yield
    }) : () -> ()
    %dma_start3A_42 = arith.constant 1600 : i32
    %dma_start3A_43 = tpu.memref_slice %arg5[%dma_start3A_42] : memref<6400xi32, #tpu.memory_space<vmem>> -> memref<400xi32, #tpu.memory_space<vmem>>
    %dma_start3A_44 = arith.constant 0 : i32
    %dma_start3A_45 = arith.constant 0 : i32
    %dma_start3A_46 = tpu.memref_slice %arg2[%dma_start3A_44, %dma_start3A_45] : memref<20000x128xf32, #tpu.memory_space<hbm>> -> memref<20000x128xf32, #tpu.memory_space<hbm>>
    tpu.enqueue_indirect_dma source(%dma_start3A_46 : memref<20000x128xf32, #tpu.memory_space<hbm>>) target(%arg6 : memref<400x128xf32, #tpu.memory_space<vmem>>) offsets(%dma_start3A_43 : memref<400xi32, #tpu.memory_space<vmem>>) semaphore(%arg8 : memref<!tpu.dma_semaphore, #tpu.memory_space<semaphore_mem>>)
    %dma_wait3A_47 = arith.constant 1200 : i32
    %dma_wait3A_48 = tpu.memref_slice %arg5[%dma_wait3A_47] : memref<6400xi32, #tpu.memory_space<vmem>> -> memref<400xi32, #tpu.memory_space<vmem>>
    %dma_wait3A_49 = arith.constant 0 : i32
    %dma_wait3A_50 = arith.constant 0 : i32
    %dma_wait3A_51 = tpu.memref_slice %arg2[%dma_wait3A_49, %dma_wait3A_50] : memref<20000x128xf32, #tpu.memory_space<hbm>> -> memref<20000x128xf32, #tpu.memory_space<hbm>>
    tpu.wait_indirect_dma semaphore(%arg9 : memref<!tpu.dma_semaphore, #tpu.memory_space<semaphore_mem>>) src(%dma_wait3A_51 : memref<20000x128xf32, #tpu.memory_space<hbm>>) dst(%arg7 : memref<400x128xf32, #tpu.memory_space<vmem>>)
    %add3A_52 = arith.constant 1200 : i32
    %add3A_53 = arith.addi %mul3A_2, %add3A_52 : i32
    "tpu.region"() ({
      %run_scoped3A = tpu.sem_alloc : memref<!tpu.dma_semaphore, #tpu.memory_space<semaphore_mem>>
      %dma_start3A_193 = arith.constant 0 : i32
      %dma_start3A_194 = tpu.memref_slice %arg4[%add3A_53, %dma_start3A_193] : memref<204800x128xf32, #tpu.memory_space<hbm>> -> memref<400x128xf32, #tpu.memory_space<hbm>>
      %dma_start3A_195 = arith.constant 0 : i32
      %dma_start3A_196 = tpu.memref_slice %arg4[%add3A_53, %dma_start3A_195] : memref<204800x128xf32, #tpu.memory_space<hbm>> -> memref<400x128xf32, #tpu.memory_space<hbm>>
      tpu.enqueue_dma source(%arg7 : memref<400x128xf32, #tpu.memory_space<vmem>>) target(%dma_start3A_196 : memref<400x128xf32, #tpu.memory_space<hbm>>) target_semaphore(%run_scoped3A : memref<!tpu.dma_semaphore, #tpu.memory_space<semaphore_mem>>)
      %dma_wait3A_197 = arith.constant 0 : i32
      %dma_wait3A_198 = tpu.memref_slice %arg4[%add3A_53, %dma_wait3A_197] : memref<204800x128xf32, #tpu.memory_space<hbm>> -> memref<400x128xf32, #tpu.memory_space<hbm>>
      %dma_wait3A_199 = arith.constant 0 : i32
      %dma_wait3A_200 = tpu.memref_slice %arg4[%add3A_53, %dma_wait3A_199] : memref<204800x128xf32, #tpu.memory_space<hbm>> -> memref<400x128xf32, #tpu.memory_space<hbm>>
      tpu.wait_dma2 semaphore(%run_scoped3A : memref<!tpu.dma_semaphore, #tpu.memory_space<semaphore_mem>>) src(%arg7 : memref<400x128xf32, #tpu.memory_space<vmem>>) dst(%dma_wait3A_200 : memref<400x128xf32, #tpu.memory_space<hbm>>)
      tpu.yield
    }) : () -> ()
    %dma_start3A_54 = arith.constant 2000 : i32
    %dma_start3A_55 = tpu.memref_slice %arg5[%dma_start3A_54] : memref<6400xi32, #tpu.memory_space<vmem>> -> memref<400xi32, #tpu.memory_space<vmem>>
    %dma_start3A_56 = arith.constant 0 : i32
    %dma_start3A_57 = arith.constant 0 : i32
    %dma_start3A_58 = tpu.memref_slice %arg2[%dma_start3A_56, %dma_start3A_57] : memref<20000x128xf32, #tpu.memory_space<hbm>> -> memref<20000x128xf32, #tpu.memory_space<hbm>>
    tpu.enqueue_indirect_dma source(%dma_start3A_58 : memref<20000x128xf32, #tpu.memory_space<hbm>>) target(%arg7 : memref<400x128xf32, #tpu.memory_space<vmem>>) offsets(%dma_start3A_55 : memref<400xi32, #tpu.memory_space<vmem>>) semaphore(%arg9 : memref<!tpu.dma_semaphore, #tpu.memory_space<semaphore_mem>>)
    %dma_wait3A_59 = arith.constant 1600 : i32
    %dma_wait3A_60 = tpu.memref_slice %arg5[%dma_wait3A_59] : memref<6400xi32, #tpu.memory_space<vmem>> -> memref<400xi32, #tpu.memory_space<vmem>>
    %dma_wait3A_61 = arith.constant 0 : i32
    %dma_wait3A_62 = arith.constant 0 : i32
    %dma_wait3A_63 = tpu.memref_slice %arg2[%dma_wait3A_61, %dma_wait3A_62] : memref<20000x128xf32, #tpu.memory_space<hbm>> -> memref<20000x128xf32, #tpu.memory_space<hbm>>
    tpu.wait_indirect_dma semaphore(%arg8 : memref<!tpu.dma_semaphore, #tpu.memory_space<semaphore_mem>>) src(%dma_wait3A_63 : memref<20000x128xf32, #tpu.memory_space<hbm>>) dst(%arg6 : memref<400x128xf32, #tpu.memory_space<vmem>>)
    %add3A_64 = arith.constant 1600 : i32
    %add3A_65 = arith.addi %mul3A_2, %add3A_64 : i32
    "tpu.region"() ({
      %run_scoped3A = tpu.sem_alloc : memref<!tpu.dma_semaphore, #tpu.memory_space<semaphore_mem>>
      %dma_start3A_193 = arith.constant 0 : i32
      %dma_start3A_194 = tpu.memref_slice %arg4[%add3A_65, %dma_start3A_193] : memref<204800x128xf32, #tpu.memory_space<hbm>> -> memref<400x128xf32, #tpu.memory_space<hbm>>
      %dma_start3A_195 = arith.constant 0 : i32
      %dma_start3A_196 = tpu.memref_slice %arg4[%add3A_65, %dma_start3A_195] : memref<204800x128xf32, #tpu.memory_space<hbm>> -> memref<400x128xf32, #tpu.memory_space<hbm>>
      tpu.enqueue_dma source(%arg6 : memref<400x128xf32, #tpu.memory_space<vmem>>) target(%dma_start3A_196 : memref<400x128xf32, #tpu.memory_space<hbm>>) target_semaphore(%run_scoped3A : memref<!tpu.dma_semaphore, #tpu.memory_space<semaphore_mem>>)
      %dma_wait3A_197 = arith.constant 0 : i32
      %dma_wait3A_198 = tpu.memref_slice %arg4[%add3A_65, %dma_wait3A_197] : memref<204800x128xf32, #tpu.memory_space<hbm>> -> memref<400x128xf32, #tpu.memory_space<hbm>>
      %dma_wait3A_199 = arith.constant 0 : i32
      %dma_wait3A_200 = tpu.memref_slice %arg4[%add3A_65, %dma_wait3A_199] : memref<204800x128xf32, #tpu.memory_space<hbm>> -> memref<400x128xf32, #tpu.memory_space<hbm>>
      tpu.wait_dma2 semaphore(%run_scoped3A : memref<!tpu.dma_semaphore, #tpu.memory_space<semaphore_mem>>) src(%arg6 : memref<400x128xf32, #tpu.memory_space<vmem>>) dst(%dma_wait3A_200 : memref<400x128xf32, #tpu.memory_space<hbm>>)
      tpu.yield
    }) : () -> ()
    %dma_start3A_66 = arith.constant 2400 : i32
    %dma_start3A_67 = tpu.memref_slice %arg5[%dma_start3A_66] : memref<6400xi32, #tpu.memory_space<vmem>> -> memref<400xi32, #tpu.memory_space<vmem>>
    %dma_start3A_68 = arith.constant 0 : i32
    %dma_start3A_69 = arith.constant 0 : i32
    %dma_start3A_70 = tpu.memref_slice %arg2[%dma_start3A_68, %dma_start3A_69] : memref<20000x128xf32, #tpu.memory_space<hbm>> -> memref<20000x128xf32, #tpu.memory_space<hbm>>
    tpu.enqueue_indirect_dma source(%dma_start3A_70 : memref<20000x128xf32, #tpu.memory_space<hbm>>) target(%arg6 : memref<400x128xf32, #tpu.memory_space<vmem>>) offsets(%dma_start3A_67 : memref<400xi32, #tpu.memory_space<vmem>>) semaphore(%arg8 : memref<!tpu.dma_semaphore, #tpu.memory_space<semaphore_mem>>)
    %dma_wait3A_71 = arith.constant 2000 : i32
    %dma_wait3A_72 = tpu.memref_slice %arg5[%dma_wait3A_71] : memref<6400xi32, #tpu.memory_space<vmem>> -> memref<400xi32, #tpu.memory_space<vmem>>
    %dma_wait3A_73 = arith.constant 0 : i32
    %dma_wait3A_74 = arith.constant 0 : i32
    %dma_wait3A_75 = tpu.memref_slice %arg2[%dma_wait3A_73, %dma_wait3A_74] : memref<20000x128xf32, #tpu.memory_space<hbm>> -> memref<20000x128xf32, #tpu.memory_space<hbm>>
    tpu.wait_indirect_dma semaphore(%arg9 : memref<!tpu.dma_semaphore, #tpu.memory_space<semaphore_mem>>) src(%dma_wait3A_75 : memref<20000x128xf32, #tpu.memory_space<hbm>>) dst(%arg7 : memref<400x128xf32, #tpu.memory_space<vmem>>)
    %add3A_76 = arith.constant 2000 : i32
    %add3A_77 = arith.addi %mul3A_2, %add3A_76 : i32
    "tpu.region"() ({
      %run_scoped3A = tpu.sem_alloc : memref<!tpu.dma_semaphore, #tpu.memory_space<semaphore_mem>>
      %dma_start3A_193 = arith.constant 0 : i32
      %dma_start3A_194 = tpu.memref_slice %arg4[%add3A_77, %dma_start3A_193] : memref<204800x128xf32, #tpu.memory_space<hbm>> -> memref<400x128xf32, #tpu.memory_space<hbm>>
      %dma_start3A_195 = arith.constant 0 : i32
      %dma_start3A_196 = tpu.memref_slice %arg4[%add3A_77, %dma_start3A_195] : memref<204800x128xf32, #tpu.memory_space<hbm>> -> memref<400x128xf32, #tpu.memory_space<hbm>>
      tpu.enqueue_dma source(%arg7 : memref<400x128xf32, #tpu.memory_space<vmem>>) target(%dma_start3A_196 : memref<400x128xf32, #tpu.memory_space<hbm>>) target_semaphore(%run_scoped3A : memref<!tpu.dma_semaphore, #tpu.memory_space<semaphore_mem>>)
      %dma_wait3A_197 = arith.constant 0 : i32
      %dma_wait3A_198 = tpu.memref_slice %arg4[%add3A_77, %dma_wait3A_197] : memref<204800x128xf32, #tpu.memory_space<hbm>> -> memref<400x128xf32, #tpu.memory_space<hbm>>
      %dma_wait3A_199 = arith.constant 0 : i32
      %dma_wait3A_200 = tpu.memref_slice %arg4[%add3A_77, %dma_wait3A_199] : memref<204800x128xf32, #tpu.memory_space<hbm>> -> memref<400x128xf32, #tpu.memory_space<hbm>>
      tpu.wait_dma2 semaphore(%run_scoped3A : memref<!tpu.dma_semaphore, #tpu.memory_space<semaphore_mem>>) src(%arg7 : memref<400x128xf32, #tpu.memory_space<vmem>>) dst(%dma_wait3A_200 : memref<400x128xf32, #tpu.memory_space<hbm>>)
      tpu.yield
    }) : () -> ()
    %dma_start3A_78 = arith.constant 2800 : i32
    %dma_start3A_79 = tpu.memref_slice %arg5[%dma_start3A_78] : memref<6400xi32, #tpu.memory_space<vmem>> -> memref<400xi32, #tpu.memory_space<vmem>>
    %dma_start3A_80 = arith.constant 0 : i32
    %dma_start3A_81 = arith.constant 0 : i32
    %dma_start3A_82 = tpu.memref_slice %arg2[%dma_start3A_80, %dma_start3A_81] : memref<20000x128xf32, #tpu.memory_space<hbm>> -> memref<20000x128xf32, #tpu.memory_space<hbm>>
    tpu.enqueue_indirect_dma source(%dma_start3A_82 : memref<20000x128xf32, #tpu.memory_space<hbm>>) target(%arg7 : memref<400x128xf32, #tpu.memory_space<vmem>>) offsets(%dma_start3A_79 : memref<400xi32, #tpu.memory_space<vmem>>) semaphore(%arg9 : memref<!tpu.dma_semaphore, #tpu.memory_space<semaphore_mem>>)
    %dma_wait3A_83 = arith.constant 2400 : i32
    %dma_wait3A_84 = tpu.memref_slice %arg5[%dma_wait3A_83] : memref<6400xi32, #tpu.memory_space<vmem>> -> memref<400xi32, #tpu.memory_space<vmem>>
    %dma_wait3A_85 = arith.constant 0 : i32
    %dma_wait3A_86 = arith.constant 0 : i32
    %dma_wait3A_87 = tpu.memref_slice %arg2[%dma_wait3A_85, %dma_wait3A_86] : memref<20000x128xf32, #tpu.memory_space<hbm>> -> memref<20000x128xf32, #tpu.memory_space<hbm>>
    tpu.wait_indirect_dma semaphore(%arg8 : memref<!tpu.dma_semaphore, #tpu.memory_space<semaphore_mem>>) src(%dma_wait3A_87 : memref<20000x128xf32, #tpu.memory_space<hbm>>) dst(%arg6 : memref<400x128xf32, #tpu.memory_space<vmem>>)
    %add3A_88 = arith.constant 2400 : i32
    %add3A_89 = arith.addi %mul3A_2, %add3A_88 : i32
    "tpu.region"() ({
      %run_scoped3A = tpu.sem_alloc : memref<!tpu.dma_semaphore, #tpu.memory_space<semaphore_mem>>
      %dma_start3A_193 = arith.constant 0 : i32
      %dma_start3A_194 = tpu.memref_slice %arg4[%add3A_89, %dma_start3A_193] : memref<204800x128xf32, #tpu.memory_space<hbm>> -> memref<400x128xf32, #tpu.memory_space<hbm>>
      %dma_start3A_195 = arith.constant 0 : i32
      %dma_start3A_196 = tpu.memref_slice %arg4[%add3A_89, %dma_start3A_195] : memref<204800x128xf32, #tpu.memory_space<hbm>> -> memref<400x128xf32, #tpu.memory_space<hbm>>
      tpu.enqueue_dma source(%arg6 : memref<400x128xf32, #tpu.memory_space<vmem>>) target(%dma_start3A_196 : memref<400x128xf32, #tpu.memory_space<hbm>>) target_semaphore(%run_scoped3A : memref<!tpu.dma_semaphore, #tpu.memory_space<semaphore_mem>>)
      %dma_wait3A_197 = arith.constant 0 : i32
      %dma_wait3A_198 = tpu.memref_slice %arg4[%add3A_89, %dma_wait3A_197] : memref<204800x128xf32, #tpu.memory_space<hbm>> -> memref<400x128xf32, #tpu.memory_space<hbm>>
      %dma_wait3A_199 = arith.constant 0 : i32
      %dma_wait3A_200 = tpu.memref_slice %arg4[%add3A_89, %dma_wait3A_199] : memref<204800x128xf32, #tpu.memory_space<hbm>> -> memref<400x128xf32, #tpu.memory_space<hbm>>
      tpu.wait_dma2 semaphore(%run_scoped3A : memref<!tpu.dma_semaphore, #tpu.memory_space<semaphore_mem>>) src(%arg6 : memref<400x128xf32, #tpu.memory_space<vmem>>) dst(%dma_wait3A_200 : memref<400x128xf32, #tpu.memory_space<hbm>>)
      tpu.yield
    }) : () -> ()
    %dma_start3A_90 = arith.constant 3200 : i32
    %dma_start3A_91 = tpu.memref_slice %arg5[%dma_start3A_90] : memref<6400xi32, #tpu.memory_space<vmem>> -> memref<400xi32, #tpu.memory_space<vmem>>
    %dma_start3A_92 = arith.constant 0 : i32
    %dma_start3A_93 = arith.constant 0 : i32
    %dma_start3A_94 = tpu.memref_slice %arg2[%dma_start3A_92, %dma_start3A_93] : memref<20000x128xf32, #tpu.memory_space<hbm>> -> memref<20000x128xf32, #tpu.memory_space<hbm>>
    tpu.enqueue_indirect_dma source(%dma_start3A_94 : memref<20000x128xf32, #tpu.memory_space<hbm>>) target(%arg6 : memref<400x128xf32, #tpu.memory_space<vmem>>) offsets(%dma_start3A_91 : memref<400xi32, #tpu.memory_space<vmem>>) semaphore(%arg8 : memref<!tpu.dma_semaphore, #tpu.memory_space<semaphore_mem>>)
    %dma_wait3A_95 = arith.constant 2800 : i32
    %dma_wait3A_96 = tpu.memref_slice %arg5[%dma_wait3A_95] : memref<6400xi32, #tpu.memory_space<vmem>> -> memref<400xi32, #tpu.memory_space<vmem>>
    %dma_wait3A_97 = arith.constant 0 : i32
    %dma_wait3A_98 = arith.constant 0 : i32
    %dma_wait3A_99 = tpu.memref_slice %arg2[%dma_wait3A_97, %dma_wait3A_98] : memref<20000x128xf32, #tpu.memory_space<hbm>> -> memref<20000x128xf32, #tpu.memory_space<hbm>>
    tpu.wait_indirect_dma semaphore(%arg9 : memref<!tpu.dma_semaphore, #tpu.memory_space<semaphore_mem>>) src(%dma_wait3A_99 : memref<20000x128xf32, #tpu.memory_space<hbm>>) dst(%arg7 : memref<400x128xf32, #tpu.memory_space<vmem>>)
    %add3A_100 = arith.constant 2800 : i32
    %add3A_101 = arith.addi %mul3A_2, %add3A_100 : i32
    "tpu.region"() ({
      %run_scoped3A = tpu.sem_alloc : memref<!tpu.dma_semaphore, #tpu.memory_space<semaphore_mem>>
      %dma_start3A_193 = arith.constant 0 : i32
      %dma_start3A_194 = tpu.memref_slice %arg4[%add3A_101, %dma_start3A_193] : memref<204800x128xf32, #tpu.memory_space<hbm>> -> memref<400x128xf32, #tpu.memory_space<hbm>>
      %dma_start3A_195 = arith.constant 0 : i32
      %dma_start3A_196 = tpu.memref_slice %arg4[%add3A_101, %dma_start3A_195] : memref<204800x128xf32, #tpu.memory_space<hbm>> -> memref<400x128xf32, #tpu.memory_space<hbm>>
      tpu.enqueue_dma source(%arg7 : memref<400x128xf32, #tpu.memory_space<vmem>>) target(%dma_start3A_196 : memref<400x128xf32, #tpu.memory_space<hbm>>) target_semaphore(%run_scoped3A : memref<!tpu.dma_semaphore, #tpu.memory_space<semaphore_mem>>)
      %dma_wait3A_197 = arith.constant 0 : i32
      %dma_wait3A_198 = tpu.memref_slice %arg4[%add3A_101, %dma_wait3A_197] : memref<204800x128xf32, #tpu.memory_space<hbm>> -> memref<400x128xf32, #tpu.memory_space<hbm>>
      %dma_wait3A_199 = arith.constant 0 : i32
      %dma_wait3A_200 = tpu.memref_slice %arg4[%add3A_101, %dma_wait3A_199] : memref<204800x128xf32, #tpu.memory_space<hbm>> -> memref<400x128xf32, #tpu.memory_space<hbm>>
      tpu.wait_dma2 semaphore(%run_scoped3A : memref<!tpu.dma_semaphore, #tpu.memory_space<semaphore_mem>>) src(%arg7 : memref<400x128xf32, #tpu.memory_space<vmem>>) dst(%dma_wait3A_200 : memref<400x128xf32, #tpu.memory_space<hbm>>)
      tpu.yield
    }) : () -> ()
    %dma_start3A_102 = arith.constant 3600 : i32
    %dma_start3A_103 = tpu.memref_slice %arg5[%dma_start3A_102] : memref<6400xi32, #tpu.memory_space<vmem>> -> memref<400xi32, #tpu.memory_space<vmem>>
    %dma_start3A_104 = arith.constant 0 : i32
    %dma_start3A_105 = arith.constant 0 : i32
    %dma_start3A_106 = tpu.memref_slice %arg2[%dma_start3A_104, %dma_start3A_105] : memref<20000x128xf32, #tpu.memory_space<hbm>> -> memref<20000x128xf32, #tpu.memory_space<hbm>>
    tpu.enqueue_indirect_dma source(%dma_start3A_106 : memref<20000x128xf32, #tpu.memory_space<hbm>>) target(%arg7 : memref<400x128xf32, #tpu.memory_space<vmem>>) offsets(%dma_start3A_103 : memref<400xi32, #tpu.memory_space<vmem>>) semaphore(%arg9 : memref<!tpu.dma_semaphore, #tpu.memory_space<semaphore_mem>>)
    %dma_wait3A_107 = arith.constant 3200 : i32
    %dma_wait3A_108 = tpu.memref_slice %arg5[%dma_wait3A_107] : memref<6400xi32, #tpu.memory_space<vmem>> -> memref<400xi32, #tpu.memory_space<vmem>>
    %dma_wait3A_109 = arith.constant 0 : i32
    %dma_wait3A_110 = arith.constant 0 : i32
    %dma_wait3A_111 = tpu.memref_slice %arg2[%dma_wait3A_109, %dma_wait3A_110] : memref<20000x128xf32, #tpu.memory_space<hbm>> -> memref<20000x128xf32, #tpu.memory_space<hbm>>
    tpu.wait_indirect_dma semaphore(%arg8 : memref<!tpu.dma_semaphore, #tpu.memory_space<semaphore_mem>>) src(%dma_wait3A_111 : memref<20000x128xf32, #tpu.memory_space<hbm>>) dst(%arg6 : memref<400x128xf32, #tpu.memory_space<vmem>>)
    %add3A_112 = arith.constant 3200 : i32
    %add3A_113 = arith.addi %mul3A_2, %add3A_112 : i32
    "tpu.region"() ({
      %run_scoped3A = tpu.sem_alloc : memref<!tpu.dma_semaphore, #tpu.memory_space<semaphore_mem>>
      %dma_start3A_193 = arith.constant 0 : i32
      %dma_start3A_194 = tpu.memref_slice %arg4[%add3A_113, %dma_start3A_193] : memref<204800x128xf32, #tpu.memory_space<hbm>> -> memref<400x128xf32, #tpu.memory_space<hbm>>
      %dma_start3A_195 = arith.constant 0 : i32
      %dma_start3A_196 = tpu.memref_slice %arg4[%add3A_113, %dma_start3A_195] : memref<204800x128xf32, #tpu.memory_space<hbm>> -> memref<400x128xf32, #tpu.memory_space<hbm>>
      tpu.enqueue_dma source(%arg6 : memref<400x128xf32, #tpu.memory_space<vmem>>) target(%dma_start3A_196 : memref<400x128xf32, #tpu.memory_space<hbm>>) target_semaphore(%run_scoped3A : memref<!tpu.dma_semaphore, #tpu.memory_space<semaphore_mem>>)
      %dma_wait3A_197 = arith.constant 0 : i32
      %dma_wait3A_198 = tpu.memref_slice %arg4[%add3A_113, %dma_wait3A_197] : memref<204800x128xf32, #tpu.memory_space<hbm>> -> memref<400x128xf32, #tpu.memory_space<hbm>>
      %dma_wait3A_199 = arith.constant 0 : i32
      %dma_wait3A_200 = tpu.memref_slice %arg4[%add3A_113, %dma_wait3A_199] : memref<204800x128xf32, #tpu.memory_space<hbm>> -> memref<400x128xf32, #tpu.memory_space<hbm>>
      tpu.wait_dma2 semaphore(%run_scoped3A : memref<!tpu.dma_semaphore, #tpu.memory_space<semaphore_mem>>) src(%arg6 : memref<400x128xf32, #tpu.memory_space<vmem>>) dst(%dma_wait3A_200 : memref<400x128xf32, #tpu.memory_space<hbm>>)
      tpu.yield
    }) : () -> ()
    %dma_start3A_114 = arith.constant 4000 : i32
    %dma_start3A_115 = tpu.memref_slice %arg5[%dma_start3A_114] : memref<6400xi32, #tpu.memory_space<vmem>> -> memref<400xi32, #tpu.memory_space<vmem>>
    %dma_start3A_116 = arith.constant 0 : i32
    %dma_start3A_117 = arith.constant 0 : i32
    %dma_start3A_118 = tpu.memref_slice %arg2[%dma_start3A_116, %dma_start3A_117] : memref<20000x128xf32, #tpu.memory_space<hbm>> -> memref<20000x128xf32, #tpu.memory_space<hbm>>
    tpu.enqueue_indirect_dma source(%dma_start3A_118 : memref<20000x128xf32, #tpu.memory_space<hbm>>) target(%arg6 : memref<400x128xf32, #tpu.memory_space<vmem>>) offsets(%dma_start3A_115 : memref<400xi32, #tpu.memory_space<vmem>>) semaphore(%arg8 : memref<!tpu.dma_semaphore, #tpu.memory_space<semaphore_mem>>)
    %dma_wait3A_119 = arith.constant 3600 : i32
    %dma_wait3A_120 = tpu.memref_slice %arg5[%dma_wait3A_119] : memref<6400xi32, #tpu.memory_space<vmem>> -> memref<400xi32, #tpu.memory_space<vmem>>
    %dma_wait3A_121 = arith.constant 0 : i32
    %dma_wait3A_122 = arith.constant 0 : i32
    %dma_wait3A_123 = tpu.memref_slice %arg2[%dma_wait3A_121, %dma_wait3A_122] : memref<20000x128xf32, #tpu.memory_space<hbm>> -> memref<20000x128xf32, #tpu.memory_space<hbm>>
    tpu.wait_indirect_dma semaphore(%arg9 : memref<!tpu.dma_semaphore, #tpu.memory_space<semaphore_mem>>) src(%dma_wait3A_123 : memref<20000x128xf32, #tpu.memory_space<hbm>>) dst(%arg7 : memref<400x128xf32, #tpu.memory_space<vmem>>)
    %add3A_124 = arith.constant 3600 : i32
    %add3A_125 = arith.addi %mul3A_2, %add3A_124 : i32
    "tpu.region"() ({
      %run_scoped3A = tpu.sem_alloc : memref<!tpu.dma_semaphore, #tpu.memory_space<semaphore_mem>>
      %dma_start3A_193 = arith.constant 0 : i32
      %dma_start3A_194 = tpu.memref_slice %arg4[%add3A_125, %dma_start3A_193] : memref<204800x128xf32, #tpu.memory_space<hbm>> -> memref<400x128xf32, #tpu.memory_space<hbm>>
      %dma_start3A_195 = arith.constant 0 : i32
      %dma_start3A_196 = tpu.memref_slice %arg4[%add3A_125, %dma_start3A_195] : memref<204800x128xf32, #tpu.memory_space<hbm>> -> memref<400x128xf32, #tpu.memory_space<hbm>>
      tpu.enqueue_dma source(%arg7 : memref<400x128xf32, #tpu.memory_space<vmem>>) target(%dma_start3A_196 : memref<400x128xf32, #tpu.memory_space<hbm>>) target_semaphore(%run_scoped3A : memref<!tpu.dma_semaphore, #tpu.memory_space<semaphore_mem>>)
      %dma_wait3A_197 = arith.constant 0 : i32
      %dma_wait3A_198 = tpu.memref_slice %arg4[%add3A_125, %dma_wait3A_197] : memref<204800x128xf32, #tpu.memory_space<hbm>> -> memref<400x128xf32, #tpu.memory_space<hbm>>
      %dma_wait3A_199 = arith.constant 0 : i32
      %dma_wait3A_200 = tpu.memref_slice %arg4[%add3A_125, %dma_wait3A_199] : memref<204800x128xf32, #tpu.memory_space<hbm>> -> memref<400x128xf32, #tpu.memory_space<hbm>>
      tpu.wait_dma2 semaphore(%run_scoped3A : memref<!tpu.dma_semaphore, #tpu.memory_space<semaphore_mem>>) src(%arg7 : memref<400x128xf32, #tpu.memory_space<vmem>>) dst(%dma_wait3A_200 : memref<400x128xf32, #tpu.memory_space<hbm>>)
      tpu.yield
    }) : () -> ()
    %dma_start3A_126 = arith.constant 4400 : i32
    %dma_start3A_127 = tpu.memref_slice %arg5[%dma_start3A_126] : memref<6400xi32, #tpu.memory_space<vmem>> -> memref<400xi32, #tpu.memory_space<vmem>>
    %dma_start3A_128 = arith.constant 0 : i32
    %dma_start3A_129 = arith.constant 0 : i32
    %dma_start3A_130 = tpu.memref_slice %arg2[%dma_start3A_128, %dma_start3A_129] : memref<20000x128xf32, #tpu.memory_space<hbm>> -> memref<20000x128xf32, #tpu.memory_space<hbm>>
    tpu.enqueue_indirect_dma source(%dma_start3A_130 : memref<20000x128xf32, #tpu.memory_space<hbm>>) target(%arg7 : memref<400x128xf32, #tpu.memory_space<vmem>>) offsets(%dma_start3A_127 : memref<400xi32, #tpu.memory_space<vmem>>) semaphore(%arg9 : memref<!tpu.dma_semaphore, #tpu.memory_space<semaphore_mem>>)
    %dma_wait3A_131 = arith.constant 4000 : i32
    %dma_wait3A_132 = tpu.memref_slice %arg5[%dma_wait3A_131] : memref<6400xi32, #tpu.memory_space<vmem>> -> memref<400xi32, #tpu.memory_space<vmem>>
    %dma_wait3A_133 = arith.constant 0 : i32
    %dma_wait3A_134 = arith.constant 0 : i32
    %dma_wait3A_135 = tpu.memref_slice %arg2[%dma_wait3A_133, %dma_wait3A_134] : memref<20000x128xf32, #tpu.memory_space<hbm>> -> memref<20000x128xf32, #tpu.memory_space<hbm>>
    tpu.wait_indirect_dma semaphore(%arg8 : memref<!tpu.dma_semaphore, #tpu.memory_space<semaphore_mem>>) src(%dma_wait3A_135 : memref<20000x128xf32, #tpu.memory_space<hbm>>) dst(%arg6 : memref<400x128xf32, #tpu.memory_space<vmem>>)
    %add3A_136 = arith.constant 4000 : i32
    %add3A_137 = arith.addi %mul3A_2, %add3A_136 : i32
    "tpu.region"() ({
      %run_scoped3A = tpu.sem_alloc : memref<!tpu.dma_semaphore, #tpu.memory_space<semaphore_mem>>
      %dma_start3A_193 = arith.constant 0 : i32
      %dma_start3A_194 = tpu.memref_slice %arg4[%add3A_137, %dma_start3A_193] : memref<204800x128xf32, #tpu.memory_space<hbm>> -> memref<400x128xf32, #tpu.memory_space<hbm>>
      %dma_start3A_195 = arith.constant 0 : i32
      %dma_start3A_196 = tpu.memref_slice %arg4[%add3A_137, %dma_start3A_195] : memref<204800x128xf32, #tpu.memory_space<hbm>> -> memref<400x128xf32, #tpu.memory_space<hbm>>
      tpu.enqueue_dma source(%arg6 : memref<400x128xf32, #tpu.memory_space<vmem>>) target(%dma_start3A_196 : memref<400x128xf32, #tpu.memory_space<hbm>>) target_semaphore(%run_scoped3A : memref<!tpu.dma_semaphore, #tpu.memory_space<semaphore_mem>>)
      %dma_wait3A_197 = arith.constant 0 : i32
      %dma_wait3A_198 = tpu.memref_slice %arg4[%add3A_137, %dma_wait3A_197] : memref<204800x128xf32, #tpu.memory_space<hbm>> -> memref<400x128xf32, #tpu.memory_space<hbm>>
      %dma_wait3A_199 = arith.constant 0 : i32
      %dma_wait3A_200 = tpu.memref_slice %arg4[%add3A_137, %dma_wait3A_199] : memref<204800x128xf32, #tpu.memory_space<hbm>> -> memref<400x128xf32, #tpu.memory_space<hbm>>
      tpu.wait_dma2 semaphore(%run_scoped3A : memref<!tpu.dma_semaphore, #tpu.memory_space<semaphore_mem>>) src(%arg6 : memref<400x128xf32, #tpu.memory_space<vmem>>) dst(%dma_wait3A_200 : memref<400x128xf32, #tpu.memory_space<hbm>>)
      tpu.yield
    }) : () -> ()
    %dma_start3A_138 = arith.constant 4800 : i32
    %dma_start3A_139 = tpu.memref_slice %arg5[%dma_start3A_138] : memref<6400xi32, #tpu.memory_space<vmem>> -> memref<400xi32, #tpu.memory_space<vmem>>
    %dma_start3A_140 = arith.constant 0 : i32
    %dma_start3A_141 = arith.constant 0 : i32
    %dma_start3A_142 = tpu.memref_slice %arg2[%dma_start3A_140, %dma_start3A_141] : memref<20000x128xf32, #tpu.memory_space<hbm>> -> memref<20000x128xf32, #tpu.memory_space<hbm>>
    tpu.enqueue_indirect_dma source(%dma_start3A_142 : memref<20000x128xf32, #tpu.memory_space<hbm>>) target(%arg6 : memref<400x128xf32, #tpu.memory_space<vmem>>) offsets(%dma_start3A_139 : memref<400xi32, #tpu.memory_space<vmem>>) semaphore(%arg8 : memref<!tpu.dma_semaphore, #tpu.memory_space<semaphore_mem>>)
    %dma_wait3A_143 = arith.constant 4400 : i32
    %dma_wait3A_144 = tpu.memref_slice %arg5[%dma_wait3A_143] : memref<6400xi32, #tpu.memory_space<vmem>> -> memref<400xi32, #tpu.memory_space<vmem>>
    %dma_wait3A_145 = arith.constant 0 : i32
    %dma_wait3A_146 = arith.constant 0 : i32
    %dma_wait3A_147 = tpu.memref_slice %arg2[%dma_wait3A_145, %dma_wait3A_146] : memref<20000x128xf32, #tpu.memory_space<hbm>> -> memref<20000x128xf32, #tpu.memory_space<hbm>>
    tpu.wait_indirect_dma semaphore(%arg9 : memref<!tpu.dma_semaphore, #tpu.memory_space<semaphore_mem>>) src(%dma_wait3A_147 : memref<20000x128xf32, #tpu.memory_space<hbm>>) dst(%arg7 : memref<400x128xf32, #tpu.memory_space<vmem>>)
    %add3A_148 = arith.constant 4400 : i32
    %add3A_149 = arith.addi %mul3A_2, %add3A_148 : i32
    "tpu.region"() ({
      %run_scoped3A = tpu.sem_alloc : memref<!tpu.dma_semaphore, #tpu.memory_space<semaphore_mem>>
      %dma_start3A_193 = arith.constant 0 : i32
      %dma_start3A_194 = tpu.memref_slice %arg4[%add3A_149, %dma_start3A_193] : memref<204800x128xf32, #tpu.memory_space<hbm>> -> memref<400x128xf32, #tpu.memory_space<hbm>>
      %dma_start3A_195 = arith.constant 0 : i32
      %dma_start3A_196 = tpu.memref_slice %arg4[%add3A_149, %dma_start3A_195] : memref<204800x128xf32, #tpu.memory_space<hbm>> -> memref<400x128xf32, #tpu.memory_space<hbm>>
      tpu.enqueue_dma source(%arg7 : memref<400x128xf32, #tpu.memory_space<vmem>>) target(%dma_start3A_196 : memref<400x128xf32, #tpu.memory_space<hbm>>) target_semaphore(%run_scoped3A : memref<!tpu.dma_semaphore, #tpu.memory_space<semaphore_mem>>)
      %dma_wait3A_197 = arith.constant 0 : i32
      %dma_wait3A_198 = tpu.memref_slice %arg4[%add3A_149, %dma_wait3A_197] : memref<204800x128xf32, #tpu.memory_space<hbm>> -> memref<400x128xf32, #tpu.memory_space<hbm>>
      %dma_wait3A_199 = arith.constant 0 : i32
      %dma_wait3A_200 = tpu.memref_slice %arg4[%add3A_149, %dma_wait3A_199] : memref<204800x128xf32, #tpu.memory_space<hbm>> -> memref<400x128xf32, #tpu.memory_space<hbm>>
      tpu.wait_dma2 semaphore(%run_scoped3A : memref<!tpu.dma_semaphore, #tpu.memory_space<semaphore_mem>>) src(%arg7 : memref<400x128xf32, #tpu.memory_space<vmem>>) dst(%dma_wait3A_200 : memref<400x128xf32, #tpu.memory_space<hbm>>)
      tpu.yield
    }) : () -> ()
    %dma_start3A_150 = arith.constant 5200 : i32
    %dma_start3A_151 = tpu.memref_slice %arg5[%dma_start3A_150] : memref<6400xi32, #tpu.memory_space<vmem>> -> memref<400xi32, #tpu.memory_space<vmem>>
    %dma_start3A_152 = arith.constant 0 : i32
    %dma_start3A_153 = arith.constant 0 : i32
    %dma_start3A_154 = tpu.memref_slice %arg2[%dma_start3A_152, %dma_start3A_153] : memref<20000x128xf32, #tpu.memory_space<hbm>> -> memref<20000x128xf32, #tpu.memory_space<hbm>>
    tpu.enqueue_indirect_dma source(%dma_start3A_154 : memref<20000x128xf32, #tpu.memory_space<hbm>>) target(%arg7 : memref<400x128xf32, #tpu.memory_space<vmem>>) offsets(%dma_start3A_151 : memref<400xi32, #tpu.memory_space<vmem>>) semaphore(%arg9 : memref<!tpu.dma_semaphore, #tpu.memory_space<semaphore_mem>>)
    %dma_wait3A_155 = arith.constant 4800 : i32
    %dma_wait3A_156 = tpu.memref_slice %arg5[%dma_wait3A_155] : memref<6400xi32, #tpu.memory_space<vmem>> -> memref<400xi32, #tpu.memory_space<vmem>>
    %dma_wait3A_157 = arith.constant 0 : i32
    %dma_wait3A_158 = arith.constant 0 : i32
    %dma_wait3A_159 = tpu.memref_slice %arg2[%dma_wait3A_157, %dma_wait3A_158] : memref<20000x128xf32, #tpu.memory_space<hbm>> -> memref<20000x128xf32, #tpu.memory_space<hbm>>
    tpu.wait_indirect_dma semaphore(%arg8 : memref<!tpu.dma_semaphore, #tpu.memory_space<semaphore_mem>>) src(%dma_wait3A_159 : memref<20000x128xf32, #tpu.memory_space<hbm>>) dst(%arg6 : memref<400x128xf32, #tpu.memory_space<vmem>>)
    %add3A_160 = arith.constant 4800 : i32
    %add3A_161 = arith.addi %mul3A_2, %add3A_160 : i32
    "tpu.region"() ({
      %run_scoped3A = tpu.sem_alloc : memref<!tpu.dma_semaphore, #tpu.memory_space<semaphore_mem>>
      %dma_start3A_193 = arith.constant 0 : i32
      %dma_start3A_194 = tpu.memref_slice %arg4[%add3A_161, %dma_start3A_193] : memref<204800x128xf32, #tpu.memory_space<hbm>> -> memref<400x128xf32, #tpu.memory_space<hbm>>
      %dma_start3A_195 = arith.constant 0 : i32
      %dma_start3A_196 = tpu.memref_slice %arg4[%add3A_161, %dma_start3A_195] : memref<204800x128xf32, #tpu.memory_space<hbm>> -> memref<400x128xf32, #tpu.memory_space<hbm>>
      tpu.enqueue_dma source(%arg6 : memref<400x128xf32, #tpu.memory_space<vmem>>) target(%dma_start3A_196 : memref<400x128xf32, #tpu.memory_space<hbm>>) target_semaphore(%run_scoped3A : memref<!tpu.dma_semaphore, #tpu.memory_space<semaphore_mem>>)
      %dma_wait3A_197 = arith.constant 0 : i32
      %dma_wait3A_198 = tpu.memref_slice %arg4[%add3A_161, %dma_wait3A_197] : memref<204800x128xf32, #tpu.memory_space<hbm>> -> memref<400x128xf32, #tpu.memory_space<hbm>>
      %dma_wait3A_199 = arith.constant 0 : i32
      %dma_wait3A_200 = tpu.memref_slice %arg4[%add3A_161, %dma_wait3A_199] : memref<204800x128xf32, #tpu.memory_space<hbm>> -> memref<400x128xf32, #tpu.memory_space<hbm>>
      tpu.wait_dma2 semaphore(%run_scoped3A : memref<!tpu.dma_semaphore, #tpu.memory_space<semaphore_mem>>) src(%arg6 : memref<400x128xf32, #tpu.memory_space<vmem>>) dst(%dma_wait3A_200 : memref<400x128xf32, #tpu.memory_space<hbm>>)
      tpu.yield
    }) : () -> ()
    %dma_start3A_162 = arith.constant 5600 : i32
    %dma_start3A_163 = tpu.memref_slice %arg5[%dma_start3A_162] : memref<6400xi32, #tpu.memory_space<vmem>> -> memref<400xi32, #tpu.memory_space<vmem>>
    %dma_start3A_164 = arith.constant 0 : i32
    %dma_start3A_165 = arith.constant 0 : i32
    %dma_start3A_166 = tpu.memref_slice %arg2[%dma_start3A_164, %dma_start3A_165] : memref<20000x128xf32, #tpu.memory_space<hbm>> -> memref<20000x128xf32, #tpu.memory_space<hbm>>
    tpu.enqueue_indirect_dma source(%dma_start3A_166 : memref<20000x128xf32, #tpu.memory_space<hbm>>) target(%arg6 : memref<400x128xf32, #tpu.memory_space<vmem>>) offsets(%dma_start3A_163 : memref<400xi32, #tpu.memory_space<vmem>>) semaphore(%arg8 : memref<!tpu.dma_semaphore, #tpu.memory_space<semaphore_mem>>)
    %dma_wait3A_167 = arith.constant 5200 : i32
    %dma_wait3A_168 = tpu.memref_slice %arg5[%dma_wait3A_167] : memref<6400xi32, #tpu.memory_space<vmem>> -> memref<400xi32, #tpu.memory_space<vmem>>
    %dma_wait3A_169 = arith.constant 0 : i32
    %dma_wait3A_170 = arith.constant 0 : i32
    %dma_wait3A_171 = tpu.memref_slice %arg2[%dma_wait3A_169, %dma_wait3A_170] : memref<20000x128xf32, #tpu.memory_space<hbm>> -> memref<20000x128xf32, #tpu.memory_space<hbm>>
    tpu.wait_indirect_dma semaphore(%arg9 : memref<!tpu.dma_semaphore, #tpu.memory_space<semaphore_mem>>) src(%dma_wait3A_171 : memref<20000x128xf32, #tpu.memory_space<hbm>>) dst(%arg7 : memref<400x128xf32, #tpu.memory_space<vmem>>)
    %add3A_172 = arith.constant 5200 : i32
    %add3A_173 = arith.addi %mul3A_2, %add3A_172 : i32
    "tpu.region"() ({
      %run_scoped3A = tpu.sem_alloc : memref<!tpu.dma_semaphore, #tpu.memory_space<semaphore_mem>>
      %dma_start3A_193 = arith.constant 0 : i32
      %dma_start3A_194 = tpu.memref_slice %arg4[%add3A_173, %dma_start3A_193] : memref<204800x128xf32, #tpu.memory_space<hbm>> -> memref<400x128xf32, #tpu.memory_space<hbm>>
      %dma_start3A_195 = arith.constant 0 : i32
      %dma_start3A_196 = tpu.memref_slice %arg4[%add3A_173, %dma_start3A_195] : memref<204800x128xf32, #tpu.memory_space<hbm>> -> memref<400x128xf32, #tpu.memory_space<hbm>>
      tpu.enqueue_dma source(%arg7 : memref<400x128xf32, #tpu.memory_space<vmem>>) target(%dma_start3A_196 : memref<400x128xf32, #tpu.memory_space<hbm>>) target_semaphore(%run_scoped3A : memref<!tpu.dma_semaphore, #tpu.memory_space<semaphore_mem>>)
      %dma_wait3A_197 = arith.constant 0 : i32
      %dma_wait3A_198 = tpu.memref_slice %arg4[%add3A_173, %dma_wait3A_197] : memref<204800x128xf32, #tpu.memory_space<hbm>> -> memref<400x128xf32, #tpu.memory_space<hbm>>
      %dma_wait3A_199 = arith.constant 0 : i32
      %dma_wait3A_200 = tpu.memref_slice %arg4[%add3A_173, %dma_wait3A_199] : memref<204800x128xf32, #tpu.memory_space<hbm>> -> memref<400x128xf32, #tpu.memory_space<hbm>>
      tpu.wait_dma2 semaphore(%run_scoped3A : memref<!tpu.dma_semaphore, #tpu.memory_space<semaphore_mem>>) src(%arg7 : memref<400x128xf32, #tpu.memory_space<vmem>>) dst(%dma_wait3A_200 : memref<400x128xf32, #tpu.memory_space<hbm>>)
      tpu.yield
    }) : () -> ()
    %dma_start3A_174 = arith.constant 6000 : i32
    %dma_start3A_175 = tpu.memref_slice %arg5[%dma_start3A_174] : memref<6400xi32, #tpu.memory_space<vmem>> -> memref<400xi32, #tpu.memory_space<vmem>>
    %dma_start3A_176 = arith.constant 0 : i32
    %dma_start3A_177 = arith.constant 0 : i32
    %dma_start3A_178 = tpu.memref_slice %arg2[%dma_start3A_176, %dma_start3A_177] : memref<20000x128xf32, #tpu.memory_space<hbm>> -> memref<20000x128xf32, #tpu.memory_space<hbm>>
    tpu.enqueue_indirect_dma source(%dma_start3A_178 : memref<20000x128xf32, #tpu.memory_space<hbm>>) target(%arg7 : memref<400x128xf32, #tpu.memory_space<vmem>>) offsets(%dma_start3A_175 : memref<400xi32, #tpu.memory_space<vmem>>) semaphore(%arg9 : memref<!tpu.dma_semaphore, #tpu.memory_space<semaphore_mem>>)
    %dma_wait3A_179 = arith.constant 5600 : i32
    %dma_wait3A_180 = tpu.memref_slice %arg5[%dma_wait3A_179] : memref<6400xi32, #tpu.memory_space<vmem>> -> memref<400xi32, #tpu.memory_space<vmem>>
    %dma_wait3A_181 = arith.constant 0 : i32
    %dma_wait3A_182 = arith.constant 0 : i32
    %dma_wait3A_183 = tpu.memref_slice %arg2[%dma_wait3A_181, %dma_wait3A_182] : memref<20000x128xf32, #tpu.memory_space<hbm>> -> memref<20000x128xf32, #tpu.memory_space<hbm>>
    tpu.wait_indirect_dma semaphore(%arg8 : memref<!tpu.dma_semaphore, #tpu.memory_space<semaphore_mem>>) src(%dma_wait3A_183 : memref<20000x128xf32, #tpu.memory_space<hbm>>) dst(%arg6 : memref<400x128xf32, #tpu.memory_space<vmem>>)
    %add3A_184 = arith.constant 5600 : i32
    %add3A_185 = arith.addi %mul3A_2, %add3A_184 : i32
    "tpu.region"() ({
      %run_scoped3A = tpu.sem_alloc : memref<!tpu.dma_semaphore, #tpu.memory_space<semaphore_mem>>
      %dma_start3A_193 = arith.constant 0 : i32
      %dma_start3A_194 = tpu.memref_slice %arg4[%add3A_185, %dma_start3A_193] : memref<204800x128xf32, #tpu.memory_space<hbm>> -> memref<400x128xf32, #tpu.memory_space<hbm>>
      %dma_start3A_195 = arith.constant 0 : i32
      %dma_start3A_196 = tpu.memref_slice %arg4[%add3A_185, %dma_start3A_195] : memref<204800x128xf32, #tpu.memory_space<hbm>> -> memref<400x128xf32, #tpu.memory_space<hbm>>
      tpu.enqueue_dma source(%arg6 : memref<400x128xf32, #tpu.memory_space<vmem>>) target(%dma_start3A_196 : memref<400x128xf32, #tpu.memory_space<hbm>>) target_semaphore(%run_scoped3A : memref<!tpu.dma_semaphore, #tpu.memory_space<semaphore_mem>>)
      %dma_wait3A_197 = arith.constant 0 : i32
      %dma_wait3A_198 = tpu.memref_slice %arg4[%add3A_185, %dma_wait3A_197] : memref<204800x128xf32, #tpu.memory_space<hbm>> -> memref<400x128xf32, #tpu.memory_space<hbm>>
      %dma_wait3A_199 = arith.constant 0 : i32
      %dma_wait3A_200 = tpu.memref_slice %arg4[%add3A_185, %dma_wait3A_199] : memref<204800x128xf32, #tpu.memory_space<hbm>> -> memref<400x128xf32, #tpu.memory_space<hbm>>
      tpu.wait_dma2 semaphore(%run_scoped3A : memref<!tpu.dma_semaphore, #tpu.memory_space<semaphore_mem>>) src(%arg6 : memref<400x128xf32, #tpu.memory_space<vmem>>) dst(%dma_wait3A_200 : memref<400x128xf32, #tpu.memory_space<hbm>>)
      tpu.yield
    }) : () -> ()
    %dma_wait3A_186 = arith.constant 6000 : i32
    %dma_wait3A_187 = tpu.memref_slice %arg5[%dma_wait3A_186] : memref<6400xi32, #tpu.memory_space<vmem>> -> memref<400xi32, #tpu.memory_space<vmem>>
    %dma_wait3A_188 = arith.constant 0 : i32
    %dma_wait3A_189 = arith.constant 0 : i32
    %dma_wait3A_190 = tpu.memref_slice %arg2[%dma_wait3A_188, %dma_wait3A_189] : memref<20000x128xf32, #tpu.memory_space<hbm>> -> memref<20000x128xf32, #tpu.memory_space<hbm>>
    tpu.wait_indirect_dma semaphore(%arg9 : memref<!tpu.dma_semaphore, #tpu.memory_space<semaphore_mem>>) src(%dma_wait3A_190 : memref<20000x128xf32, #tpu.memory_space<hbm>>) dst(%arg7 : memref<400x128xf32, #tpu.memory_space<vmem>>)
    %add3A_191 = arith.constant 6000 : i32
    %add3A_192 = arith.addi %mul3A_2, %add3A_191 : i32
    "tpu.region"() ({
      %run_scoped3A = tpu.sem_alloc : memref<!tpu.dma_semaphore, #tpu.memory_space<semaphore_mem>>
      %dma_start3A_193 = arith.constant 0 : i32
      %dma_start3A_194 = tpu.memref_slice %arg4[%add3A_192, %dma_start3A_193] : memref<204800x128xf32, #tpu.memory_space<hbm>> -> memref<400x128xf32, #tpu.memory_space<hbm>>
      %dma_start3A_195 = arith.constant 0 : i32
      %dma_start3A_196 = tpu.memref_slice %arg4[%add3A_192, %dma_start3A_195] : memref<204800x128xf32, #tpu.memory_space<hbm>> -> memref<400x128xf32, #tpu.memory_space<hbm>>
      tpu.enqueue_dma source(%arg7 : memref<400x128xf32, #tpu.memory_space<vmem>>) target(%dma_start3A_196 : memref<400x128xf32, #tpu.memory_space<hbm>>) target_semaphore(%run_scoped3A : memref<!tpu.dma_semaphore, #tpu.memory_space<semaphore_mem>>)
      %dma_wait3A_197 = arith.constant 0 : i32
      %dma_wait3A_198 = tpu.memref_slice %arg4[%add3A_192, %dma_wait3A_197] : memref<204800x128xf32, #tpu.memory_space<hbm>> -> memref<400x128xf32, #tpu.memory_space<hbm>>
      %dma_wait3A_199 = arith.constant 0 : i32
      %dma_wait3A_200 = tpu.memref_slice %arg4[%add3A_192, %dma_wait3A_199] : memref<204800x128xf32, #tpu.memory_space<hbm>> -> memref<400x128xf32, #tpu.memory_space<hbm>>
      tpu.wait_dma2 semaphore(%run_scoped3A : memref<!tpu.dma_semaphore, #tpu.memory_space<semaphore_mem>>) src(%arg7 : memref<400x128xf32, #tpu.memory_space<vmem>>) dst(%dma_wait3A_200 : memref<400x128xf32, #tpu.memory_space<hbm>>)
      tpu.yield
    }) : () -> ()
    return
  }
}

module attributes {stable_mosaic.version = 14 : i64} {
  func.func @_scan_body(%arg0: i32, %arg1: memref<1x1024x128xf32, #tpu.memory_space<vmem>>, %arg2: memref<1x1024x128xf32, #tpu.memory_space<vmem>>, %arg3: memref<256x512xbf16, #tpu.memory_space<vmem>>, %arg4: memref<1x512xbf16, #tpu.memory_space<vmem>>, %arg5: memref<256x512xbf16, #tpu.memory_space<vmem>>, %arg6: memref<1x512xbf16, #tpu.memory_space<vmem>>, %arg7: memref<1x1024x128xbf16, #tpu.memory_space<vmem>>, %arg8: memref<1x1024x128xbf16, #tpu.memory_space<vmem>>, %arg9: memref<1024x256xbf16, #tpu.memory_space<vmem>>, %arg10: memref<1024x256xbf16, #tpu.memory_space<vmem>>, %arg11: memref<1024x128xbf16, #tpu.memory_space<vmem>>, %arg12: memref<1024x256xbf16, #tpu.memory_space<vmem>>, %arg13: memref<1024x128xbf16, #tpu.memory_space<vmem>>) attributes {dimension_semantics = [#tpu.dimension_semantics<arbitrary>], iteration_bounds = array<i64: 200>, scalar_prefetch = 0 : i64, scratch_operands = 4 : i64, tpu.core_type = #tpu.core_type<tc>, window_params = [{transform_indices = @transform_0, window_bounds = array<i64: 1, 1024, 128>}, {transform_indices = @transform_1, window_bounds = array<i64: 1, 1024, 128>}, {pipeline_mode = #tpu.pipeline_mode<synchronous>, transform_indices = @transform_2, window_bounds = array<i64: 256, 512>}, {pipeline_mode = #tpu.pipeline_mode<synchronous>, transform_indices = @transform_3, window_bounds = array<i64: 1, 512>}, {pipeline_mode = #tpu.pipeline_mode<synchronous>, transform_indices = @transform_4, window_bounds = array<i64: 256, 512>}, {pipeline_mode = #tpu.pipeline_mode<synchronous>, transform_indices = @transform_5, window_bounds = array<i64: 1, 512>}, {transform_indices = @transform_6, window_bounds = array<i64: 1, 1024, 128>}, {transform_indices = @transform_7, window_bounds = array<i64: 1, 1024, 128>}, {pipeline_mode = #tpu.pipeline_mode<synchronous>, transform_indices = @transform_8, window_bounds = array<i64: 1024, 256>}]} {
    %eq3A = arith.constant 0 : i32
    %eq3A_0 = arith.cmpi eq, %arg0, %eq3A : i32
    %convert_element_type3A = arith.extui %eq3A_0 : i1 to i32
    %cond3A = arith.constant 0 : i32
    %cond3A_1 = arith.cmpi ne, %convert_element_type3A, %cond3A : i32
    scf.if %cond3A_1 {
      %broadcast_in_dim3A = arith.constant 0.000000e+00 : bf16
      %broadcast_in_dim3A_142 = vector.broadcast %broadcast_in_dim3A : bf16 to vector<1024x128xbf16>
      %swap3A_143 = arith.constant 0 : index
      %swap3A_144 = arith.constant 128 : index
      %swap3A_145 = vector.load %arg10[%swap3A_143, %swap3A_144] : memref<1024x256xbf16, #tpu.memory_space<vmem>>, vector<1024x128xbf16>
      tpu.vector_store %arg10[%swap3A_143, %swap3A_144], %broadcast_in_dim3A_142 {strides = array<i32>} : memref<1024x256xbf16, #tpu.memory_space<vmem>>, vector<1024x128xbf16>,
      %broadcast_in_dim3A_146 = arith.constant 0.000000e+00 : bf16
      %broadcast_in_dim3A_147 = vector.broadcast %broadcast_in_dim3A_146 : bf16 to vector<1024x128xbf16>
      %swap3A_148 = arith.constant 0 : index
      %swap3A_149 = arith.constant 0 : index
      %swap3A_150 = vector.load %arg11[%swap3A_148, %swap3A_149] : memref<1024x128xbf16, #tpu.memory_space<vmem>>, vector<1024x128xbf16>
      tpu.vector_store %arg11[%swap3A_148, %swap3A_149], %broadcast_in_dim3A_147 {strides = array<i32>} : memref<1024x128xbf16, #tpu.memory_space<vmem>>, vector<1024x128xbf16>,
      %broadcast_in_dim3A_151 = arith.constant 0.000000e+00 : bf16
      %broadcast_in_dim3A_152 = vector.broadcast %broadcast_in_dim3A_151 : bf16 to vector<1024x128xbf16>
      %swap3A_153 = arith.constant 0 : index
      %swap3A_154 = arith.constant 128 : index
      %swap3A_155 = vector.load %arg12[%swap3A_153, %swap3A_154] : memref<1024x256xbf16, #tpu.memory_space<vmem>>, vector<1024x128xbf16>
      tpu.vector_store %arg12[%swap3A_153, %swap3A_154], %broadcast_in_dim3A_152 {strides = array<i32>} : memref<1024x256xbf16, #tpu.memory_space<vmem>>, vector<1024x128xbf16>,
      %broadcast_in_dim3A_156 = arith.constant 0.000000e+00 : bf16
      %broadcast_in_dim3A_157 = vector.broadcast %broadcast_in_dim3A_156 : bf16 to vector<1024x128xbf16>
      %swap3A_158 = arith.constant 0 : index
      %swap3A_159 = arith.constant 0 : index
      %swap3A_160 = vector.load %arg13[%swap3A_158, %swap3A_159] : memref<1024x128xbf16, #tpu.memory_space<vmem>>, vector<1024x128xbf16>
      tpu.vector_store %arg13[%swap3A_158, %swap3A_159], %broadcast_in_dim3A_157 {strides = array<i32>} : memref<1024x128xbf16, #tpu.memory_space<vmem>>, vector<1024x128xbf16>,
    } else {
    }
    %get3A = arith.constant 0 : index
    %get3A_2 = arith.constant 0 : index
    %get3A_3 = vector.load %arg11[%get3A, %get3A_2] : memref<1024x128xbf16, #tpu.memory_space<vmem>>, vector<1024x128xbf16>
    %get3A_4 = arith.constant 0 : index
    %get3A_5 = arith.constant 0 : index
    %get3A_6 = arith.constant 0 : index
    %get3A_7 = vector.load %arg1[%get3A_4, %get3A_5, %get3A_6] : memref<1x1024x128xf32, #tpu.memory_space<vmem>>, vector<1x1024x128xf32>
    %get3A_8 = vector.shape_cast %get3A_7 : vector<1x1024x128xf32> to vector<1024x128xf32>
    %convert_element_type3A_9 = arith.truncf %get3A_8 : vector<1024x128xf32> to vector<1024x128xbf16>
    %swap3A = arith.constant 0 : index
    %swap3A_10 = arith.constant 0 : index
    %swap3A_11 = vector.load %arg10[%swap3A, %swap3A_10] : memref<1024x256xbf16, #tpu.memory_space<vmem>>, vector<1024x128xbf16>
    tpu.vector_store %arg10[%swap3A, %swap3A_10], %convert_element_type3A_9 {strides = array<i32>} : memref<1024x256xbf16, #tpu.memory_space<vmem>>, vector<1024x128xbf16>,
    %get3A_12 = arith.constant 0 : index
    %get3A_13 = arith.constant 0 : index
    %get3A_14 = vector.load %arg10[%get3A_12, %get3A_13] : memref<1024x256xbf16, #tpu.memory_space<vmem>>, vector<1024x256xbf16>
    %get3A_15 = arith.constant 0 : index
    %get3A_16 = arith.constant 0 : index
    %get3A_17 = vector.load %arg3[%get3A_15, %get3A_16] : memref<256x512xbf16, #tpu.memory_space<vmem>>, vector<256x512xbf16>
    %dot_general3A = arith.constant dense<0.000000e+00> : vector<1024x512xf32>
    %dot_general3A_18 = tpu.matmul %get3A_14, %get3A_17, %dot_general3A {dimension_numbers = #tpu.dot_dimension_numbers<[1], [0], [0], [1], [0, 0, 1, 1], [], []>, transpose_lhs_hint = false} : vector<1024x256xbf16>, vector<256x512xbf16>, vector<1024x512xf32> -> vector<1024x512xf32>
    %convert_element_type3A_19 = arith.truncf %dot_general3A_18 : vector<1024x512xf32> to vector<1024x512xbf16>
    %get3A_20 = arith.constant 0 : index
    %get3A_21 = arith.constant 0 : index
    %get3A_22 = vector.load %arg4[%get3A_20, %get3A_21] : memref<1x512xbf16, #tpu.memory_space<vmem>>, vector<1x512xbf16>
    %add3A = vector.broadcast %get3A_22 : vector<1x512xbf16> to vector<1024x512xbf16>
    %add3A_23 = arith.addf %convert_element_type3A_19, %add3A : vector<1024x512xbf16>
    %slice3A = vector.extract_strided_slice %add3A_23 {offsets = [0, 0], sizes = [1024, 128], strides = [1, 1]} : vector<1024x512xbf16> to vector<1024x128xbf16>
    %tanh3A = math.tanh %slice3A : vector<1024x128xbf16>
    %mul3A = arith.constant 5.000000e-01 : bf16
    %mul3A_24 = vector.broadcast %mul3A : bf16 to vector<1024x128xbf16>
    %mul3A_25 = arith.mulf %mul3A_24, %tanh3A : vector<1024x128xbf16>
    %add3A_26 = arith.constant 5.000000e-01 : bf16
    %add3A_27 = vector.broadcast %add3A_26 : bf16 to vector<1024x128xbf16>
    %add3A_28 = arith.addf %mul3A_25, %add3A_27 : vector<1024x128xbf16>
    %slice3A_29 = vector.extract_strided_slice %add3A_23 {offsets = [0, 128], sizes = [1024, 128], strides = [1, 1]} : vector<1024x512xbf16> to vector<1024x128xbf16>
    %tanh3A_30 = math.tanh %slice3A_29 : vector<1024x128xbf16>
    %mul3A_31 = arith.constant 5.000000e-01 : bf16
    %mul3A_32 = vector.broadcast %mul3A_31 : bf16 to vector<1024x128xbf16>
    %mul3A_33 = arith.mulf %mul3A_32, %tanh3A_30 : vector<1024x128xbf16>
    %add3A_34 = arith.constant 5.000000e-01 : bf16
    %add3A_35 = vector.broadcast %add3A_34 : bf16 to vector<1024x128xbf16>
    %add3A_36 = arith.addf %mul3A_33, %add3A_35 : vector<1024x128xbf16>
    %slice3A_37 = vector.extract_strided_slice %add3A_23 {offsets = [0, 256], sizes = [1024, 128], strides = [1, 1]} : vector<1024x512xbf16> to vector<1024x128xbf16>
    %tanh3A_38 = math.tanh %slice3A_37 : vector<1024x128xbf16>
    %slice3A_39 = vector.extract_strided_slice %add3A_23 {offsets = [0, 384], sizes = [1024, 128], strides = [1, 1]} : vector<1024x512xbf16> to vector<1024x128xbf16>
    %tanh3A_40 = math.tanh %slice3A_39 : vector<1024x128xbf16>
    %mul3A_41 = arith.constant 5.000000e-01 : bf16
    %mul3A_42 = vector.broadcast %mul3A_41 : bf16 to vector<1024x128xbf16>
    %mul3A_43 = arith.mulf %mul3A_42, %tanh3A_40 : vector<1024x128xbf16>
    %add3A_44 = arith.constant 5.000000e-01 : bf16
    %add3A_45 = vector.broadcast %add3A_44 : bf16 to vector<1024x128xbf16>
    %add3A_46 = arith.addf %mul3A_43, %add3A_45 : vector<1024x128xbf16>
    %mul3A_47 = arith.mulf %add3A_36, %get3A_3 : vector<1024x128xbf16>
    %mul3A_48 = arith.mulf %add3A_28, %tanh3A_38 : vector<1024x128xbf16>
    %add3A_49 = arith.addf %mul3A_47, %mul3A_48 : vector<1024x128xbf16>
    %tanh3A_50 = math.tanh %add3A_49 : vector<1024x128xbf16>
    %mul3A_51 = arith.mulf %add3A_46, %tanh3A_50 : vector<1024x128xbf16>
    %swap3A_52 = arith.constant 0 : index
    %swap3A_53 = arith.constant 128 : index
    %swap3A_54 = vector.load %arg10[%swap3A_52, %swap3A_53] : memref<1024x256xbf16, #tpu.memory_space<vmem>>, vector<1024x128xbf16>
    tpu.vector_store %arg10[%swap3A_52, %swap3A_53], %mul3A_51 {strides = array<i32>} : memref<1024x256xbf16, #tpu.memory_space<vmem>>, vector<1024x128xbf16>,
    %get3A_55 = arith.constant 0 : index
    %get3A_56 = arith.constant 0 : index
    %get3A_57 = vector.load %arg13[%get3A_55, %get3A_56] : memref<1024x128xbf16, #tpu.memory_space<vmem>>, vector<1024x128xbf16>
    %get3A_58 = arith.constant 0 : index
    %get3A_59 = arith.constant 0 : index
    %get3A_60 = arith.constant 0 : index
    %get3A_61 = vector.load %arg2[%get3A_58, %get3A_59, %get3A_60] : memref<1x1024x128xf32, #tpu.memory_space<vmem>>, vector<1x1024x128xf32>
    %get3A_62 = vector.shape_cast %get3A_61 : vector<1x1024x128xf32> to vector<1024x128xf32>
    %convert_element_type3A_63 = arith.truncf %get3A_62 : vector<1024x128xf32> to vector<1024x128xbf16>
    %swap3A_64 = arith.constant 0 : index
    %swap3A_65 = arith.constant 0 : index
    %swap3A_66 = vector.load %arg12[%swap3A_64, %swap3A_65] : memref<1024x256xbf16, #tpu.memory_space<vmem>>, vector<1024x128xbf16>
    tpu.vector_store %arg12[%swap3A_64, %swap3A_65], %convert_element_type3A_63 {strides = array<i32>} : memref<1024x256xbf16, #tpu.memory_space<vmem>>, vector<1024x128xbf16>,
    %get3A_67 = arith.constant 0 : index
    %get3A_68 = arith.constant 0 : index
    %get3A_69 = vector.load %arg12[%get3A_67, %get3A_68] : memref<1024x256xbf16, #tpu.memory_space<vmem>>, vector<1024x256xbf16>
    %get3A_70 = arith.constant 0 : index
    %get3A_71 = arith.constant 0 : index
    %get3A_72 = vector.load %arg5[%get3A_70, %get3A_71] : memref<256x512xbf16, #tpu.memory_space<vmem>>, vector<256x512xbf16>
    %dot_general3A_73 = arith.constant dense<0.000000e+00> : vector<1024x512xf32>
    %dot_general3A_74 = tpu.matmul %get3A_69, %get3A_72, %dot_general3A_73 {dimension_numbers = #tpu.dot_dimension_numbers<[1], [0], [0], [1], [0, 0, 1, 1], [], []>, transpose_lhs_hint = false} : vector<1024x256xbf16>, vector<256x512xbf16>, vector<1024x512xf32> -> vector<1024x512xf32>
    %convert_element_type3A_75 = arith.truncf %dot_general3A_74 : vector<1024x512xf32> to vector<1024x512xbf16>
    %get3A_76 = arith.constant 0 : index
    %get3A_77 = arith.constant 0 : index
    %get3A_78 = vector.load %arg6[%get3A_76, %get3A_77] : memref<1x512xbf16, #tpu.memory_space<vmem>>, vector<1x512xbf16>
    %add3A_79 = vector.broadcast %get3A_78 : vector<1x512xbf16> to vector<1024x512xbf16>
    %add3A_80 = arith.addf %convert_element_type3A_75, %add3A_79 : vector<1024x512xbf16>
    %slice3A_81 = vector.extract_strided_slice %add3A_80 {offsets = [0, 0], sizes = [1024, 128], strides = [1, 1]} : vector<1024x512xbf16> to vector<1024x128xbf16>
    %tanh3A_82 = math.tanh %slice3A_81 : vector<1024x128xbf16>
    %mul3A_83 = arith.constant 5.000000e-01 : bf16
    %mul3A_84 = vector.broadcast %mul3A_83 : bf16 to vector<1024x128xbf16>
    %mul3A_85 = arith.mulf %mul3A_84, %tanh3A_82 : vector<1024x128xbf16>
    %add3A_86 = arith.constant 5.000000e-01 : bf16
    %add3A_87 = vector.broadcast %add3A_86 : bf16 to vector<1024x128xbf16>
    %add3A_88 = arith.addf %mul3A_85, %add3A_87 : vector<1024x128xbf16>
    %slice3A_89 = vector.extract_strided_slice %add3A_80 {offsets = [0, 128], sizes = [1024, 128], strides = [1, 1]} : vector<1024x512xbf16> to vector<1024x128xbf16>
    %tanh3A_90 = math.tanh %slice3A_89 : vector<1024x128xbf16>
    %mul3A_91 = arith.constant 5.000000e-01 : bf16
    %mul3A_92 = vector.broadcast %mul3A_91 : bf16 to vector<1024x128xbf16>
    %mul3A_93 = arith.mulf %mul3A_92, %tanh3A_90 : vector<1024x128xbf16>
    %add3A_94 = arith.constant 5.000000e-01 : bf16
    %add3A_95 = vector.broadcast %add3A_94 : bf16 to vector<1024x128xbf16>
    %add3A_96 = arith.addf %mul3A_93, %add3A_95 : vector<1024x128xbf16>
    %slice3A_97 = vector.extract_strided_slice %add3A_80 {offsets = [0, 256], sizes = [1024, 128], strides = [1, 1]} : vector<1024x512xbf16> to vector<1024x128xbf16>
    %tanh3A_98 = math.tanh %slice3A_97 : vector<1024x128xbf16>
    %slice3A_99 = vector.extract_strided_slice %add3A_80 {offsets = [0, 384], sizes = [1024, 128], strides = [1, 1]} : vector<1024x512xbf16> to vector<1024x128xbf16>
    %tanh3A_100 = math.tanh %slice3A_99 : vector<1024x128xbf16>
    %mul3A_101 = arith.constant 5.000000e-01 : bf16
    %mul3A_102 = vector.broadcast %mul3A_101 : bf16 to vector<1024x128xbf16>
    %mul3A_103 = arith.mulf %mul3A_102, %tanh3A_100 : vector<1024x128xbf16>
    %add3A_104 = arith.constant 5.000000e-01 : bf16
    %add3A_105 = vector.broadcast %add3A_104 : bf16 to vector<1024x128xbf16>
    %add3A_106 = arith.addf %mul3A_103, %add3A_105 : vector<1024x128xbf16>
    %mul3A_107 = arith.mulf %add3A_96, %get3A_57 : vector<1024x128xbf16>
    %mul3A_108 = arith.mulf %add3A_88, %tanh3A_98 : vector<1024x128xbf16>
    %add3A_109 = arith.addf %mul3A_107, %mul3A_108 : vector<1024x128xbf16>
    %tanh3A_110 = math.tanh %add3A_109 : vector<1024x128xbf16>
    %mul3A_111 = arith.mulf %add3A_106, %tanh3A_110 : vector<1024x128xbf16>
    %swap3A_112 = arith.constant 0 : index
    %swap3A_113 = arith.constant 128 : index
    %swap3A_114 = vector.load %arg12[%swap3A_112, %swap3A_113] : memref<1024x256xbf16, #tpu.memory_space<vmem>>, vector<1024x128xbf16>
    tpu.vector_store %arg12[%swap3A_112, %swap3A_113], %mul3A_111 {strides = array<i32>} : memref<1024x256xbf16, #tpu.memory_space<vmem>>, vector<1024x128xbf16>,
    %swap3A_115 = arith.constant 0 : index
    %swap3A_116 = arith.constant 0 : index
    %swap3A_117 = vector.load %arg11[%swap3A_115, %swap3A_116] : memref<1024x128xbf16, #tpu.memory_space<vmem>>, vector<1024x128xbf16>
    tpu.vector_store %arg11[%swap3A_115, %swap3A_116], %add3A_49 {strides = array<i32>} : memref<1024x128xbf16, #tpu.memory_space<vmem>>, vector<1024x128xbf16>,
    %swap3A_118 = arith.constant 0 : index
    %swap3A_119 = arith.constant 0 : index
    %swap3A_120 = vector.load %arg13[%swap3A_118, %swap3A_119] : memref<1024x128xbf16, #tpu.memory_space<vmem>>, vector<1024x128xbf16>
    tpu.vector_store %arg13[%swap3A_118, %swap3A_119], %add3A_109 {strides = array<i32>} : memref<1024x128xbf16, #tpu.memory_space<vmem>>, vector<1024x128xbf16>,
    %swap3A_121 = arith.constant 0 : index
    %swap3A_122 = arith.constant 0 : index
    %swap3A_123 = arith.constant 0 : index
    %swap3A_124 = vector.load %arg7[%swap3A_121, %swap3A_122, %swap3A_123] : memref<1x1024x128xbf16, #tpu.memory_space<vmem>>, vector<1x1024x128xbf16>
    %swap3A_125 = vector.shape_cast %swap3A_124 : vector<1x1024x128xbf16> to vector<1024x128xbf16>
    %swap3A_126 = vector.shape_cast %mul3A_51 : vector<1024x128xbf16> to vector<1x1024x128xbf16>
    tpu.vector_store %arg7[%swap3A_121, %swap3A_122, %swap3A_123], %swap3A_126 {strides = array<i32>} : memref<1x1024x128xbf16, #tpu.memory_space<vmem>>, vector<1x1024x128xbf16>,
    %swap3A_127 = arith.constant 0 : index
    %swap3A_128 = arith.constant 0 : index
    %swap3A_129 = arith.constant 0 : index
    %swap3A_130 = vector.load %arg8[%swap3A_127, %swap3A_128, %swap3A_129] : memref<1x1024x128xbf16, #tpu.memory_space<vmem>>, vector<1x1024x128xbf16>
    %swap3A_131 = vector.shape_cast %swap3A_130 : vector<1x1024x128xbf16> to vector<1024x128xbf16>
    %swap3A_132 = vector.shape_cast %mul3A_111 : vector<1024x128xbf16> to vector<1x1024x128xbf16>
    tpu.vector_store %arg8[%swap3A_127, %swap3A_128, %swap3A_129], %swap3A_132 {strides = array<i32>} : memref<1x1024x128xbf16, #tpu.memory_space<vmem>>, vector<1x1024x128xbf16>,
    %eq3A_133 = arith.constant 0 : i32
    %eq3A_134 = arith.cmpi eq, %arg0, %eq3A_133 : i32
    %convert_element_type3A_135 = arith.extui %eq3A_134 : i1 to i32
    %cond3A_136 = arith.constant 0 : i32
    %cond3A_137 = arith.cmpi ne, %convert_element_type3A_135, %cond3A_136 : i32
    scf.if %cond3A_137 {
      %swap3A_142 = arith.constant 0 : index
      %swap3A_143 = arith.constant 0 : index
      %swap3A_144 = vector.load %arg9[%swap3A_142, %swap3A_143] : memref<1024x256xbf16, #tpu.memory_space<vmem>>, vector<1024x128xbf16>
      tpu.vector_store %arg9[%swap3A_142, %swap3A_143], %mul3A_51 {strides = array<i32>} : memref<1024x256xbf16, #tpu.memory_space<vmem>>, vector<1024x128xbf16>,
      %swap3A_145 = arith.constant 0 : index
      %swap3A_146 = arith.constant 128 : index
      %swap3A_147 = vector.load %arg9[%swap3A_145, %swap3A_146] : memref<1024x256xbf16, #tpu.memory_space<vmem>>, vector<1024x128xbf16>
      tpu.vector_store %arg9[%swap3A_145, %swap3A_146], %mul3A_111 {strides = array<i32>} : memref<1024x256xbf16, #tpu.memory_space<vmem>>, vector<1024x128xbf16>,
    } else {
    }
    %gt3A = arith.constant 0 : i32
    %gt3A_138 = arith.cmpi sgt, %arg0, %gt3A : i32
    %convert_element_type3A_139 = arith.extui %gt3A_138 : i1 to i32
    %cond3A_140 = arith.constant 0 : i32
    %cond3A_141 = arith.cmpi ne, %convert_element_type3A_139, %cond3A_140 : i32
    scf.if %cond3A_141 {
      %get3A_142 = arith.constant 0 : index
      %get3A_143 = arith.constant 0 : index
      %get3A_144 = vector.load %arg9[%get3A_142, %get3A_143] : memref<1024x256xbf16, #tpu.memory_space<vmem>>, vector<1024x128xbf16>
      %max3A = arith.maximumf %get3A_144, %mul3A_51 : vector<1024x128xbf16>
      %swap3A_145 = arith.constant 0 : index
      %swap3A_146 = arith.constant 0 : index
      %swap3A_147 = vector.load %arg9[%swap3A_145, %swap3A_146] : memref<1024x256xbf16, #tpu.memory_space<vmem>>, vector<1024x128xbf16>
      tpu.vector_store %arg9[%swap3A_145, %swap3A_146], %max3A {strides = array<i32>} : memref<1024x256xbf16, #tpu.memory_space<vmem>>, vector<1024x128xbf16>,
      %get3A_148 = arith.constant 0 : index
      %get3A_149 = arith.constant 128 : index
      %get3A_150 = vector.load %arg9[%get3A_148, %get3A_149] : memref<1024x256xbf16, #tpu.memory_space<vmem>>, vector<1024x128xbf16>
      %max3A_151 = arith.maximumf %get3A_150, %mul3A_111 : vector<1024x128xbf16>
      %swap3A_152 = arith.constant 0 : index
      %swap3A_153 = arith.constant 128 : index
      %swap3A_154 = vector.load %arg9[%swap3A_152, %swap3A_153] : memref<1024x256xbf16, #tpu.memory_space<vmem>>, vector<1024x128xbf16>
      tpu.vector_store %arg9[%swap3A_152, %swap3A_153], %max3A_151 {strides = array<i32>} : memref<1024x256xbf16, #tpu.memory_space<vmem>>, vector<1024x128xbf16>,
    } else {
    }
    return
  }
  func.func @transform_0(%arg0: i32) -> (i32, i32, i32) {
    %c0_i32 = arith.constant 0 : i32
    %c0_i32_0 = arith.constant 0 : i32
    %c0_i32_1 = arith.constant 0 : i32
    return %arg0, %c0_i32, %c0_i32_0 : i32, i32, i32
  }
  func.func @transform_1(%arg0: i32) -> (i32, i32, i32) {
    %sub3A = arith.constant 199 : i32
    %sub3A_0 = arith.subi %sub3A, %arg0 : i32
    %c0_i32 = arith.constant 0 : i32
    %c0_i32_1 = arith.constant 0 : i32
    %c0_i32_2 = arith.constant 0 : i32
    return %sub3A_0, %c0_i32, %c0_i32_1 : i32, i32, i32
  }
  func.func @transform_2(%arg0: i32) -> (i32, i32) {
    %c0_i32 = arith.constant 0 : i32
    %c0_i32_0 = arith.constant 0 : i32
    %c0_i32_1 = arith.constant 0 : i32
    return %c0_i32, %c0_i32_0 : i32, i32
  }
  func.func @transform_3(%arg0: i32) -> (i32, i32) {
    %c0_i32 = arith.constant 0 : i32
    %c0_i32_0 = arith.constant 0 : i32
    %c0_i32_1 = arith.constant 0 : i32
    return %c0_i32, %c0_i32_0 : i32, i32
  }
  func.func @transform_4(%arg0: i32) -> (i32, i32) {
    %c0_i32 = arith.constant 0 : i32
    %c0_i32_0 = arith.constant 0 : i32
    %c0_i32_1 = arith.constant 0 : i32
    return %c0_i32, %c0_i32_0 : i32, i32
  }
  func.func @transform_5(%arg0: i32) -> (i32, i32) {
    %c0_i32 = arith.constant 0 : i32
    %c0_i32_0 = arith.constant 0 : i32
    %c0_i32_1 = arith.constant 0 : i32
    return %c0_i32, %c0_i32_0 : i32, i32
  }
  func.func @transform_6(%arg0: i32) -> (i32, i32, i32) {
    %c0_i32 = arith.constant 0 : i32
    %c0_i32_0 = arith.constant 0 : i32
    %c0_i32_1 = arith.constant 0 : i32
    return %arg0, %c0_i32, %c0_i32_0 : i32, i32, i32
  }
  func.func @transform_7(%arg0: i32) -> (i32, i32, i32) {
    %sub3A = arith.constant 199 : i32
    %sub3A_0 = arith.subi %sub3A, %arg0 : i32
    %c0_i32 = arith.constant 0 : i32
    %c0_i32_1 = arith.constant 0 : i32
    %c0_i32_2 = arith.constant 0 : i32
    return %sub3A_0, %c0_i32, %c0_i32_1 : i32, i32, i32
  }
  func.func @transform_8(%arg0: i32) -> (i32, i32) {
    %c0_i32 = arith.constant 0 : i32
    %c0_i32_0 = arith.constant 0 : i32
    %c0_i32_1 = arith.constant 0 : i32
    return %c0_i32, %c0_i32_0 : i32, i32
  }
}

module attributes {stable_mosaic.version = 14 : i64} {
  func.func @_attn_body(%arg0: i32, %arg1: memref<8x1024x128xbf16, #tpu.memory_space<vmem>>, %arg2: memref<8x1024x128xbf16, #tpu.memory_space<vmem>>, %arg3: memref<1024x256xbf16, #tpu.memory_space<vmem>>, %arg4: memref<256x128xbf16, #tpu.memory_space<vmem>>, %arg5: memref<512x128xf32, #tpu.memory_space<vmem>>, %arg6: memref<128x2xf32, #tpu.memory_space<vmem>>, %arg7: memref<1x2xf32, #tpu.memory_space<vmem>>, %arg8: memref<1024x2xf32, #tpu.memory_space<vmem>>, %arg9: memref<1024x128xf32, #tpu.memory_space<vmem>>, %arg10: memref<1024x128xf32, #tpu.memory_space<vmem>>, %arg11: memref<1024x128xf32, #tpu.memory_space<vmem>>, %arg12: memref<1024x256xbf16, #tpu.memory_space<vmem>>) attributes {dimension_semantics = [#tpu.dimension_semantics<arbitrary>], iteration_bounds = array<i64: 25>, scalar_prefetch = 0 : i64, scratch_operands = 4 : i64, tpu.core_type = #tpu.core_type<tc>, window_params = [{transform_indices = @transform_0, window_bounds = array<i64: 8, 1024, 128>}, {transform_indices = @transform_1, window_bounds = array<i64: 8, 1024, 128>}, {pipeline_mode = #tpu.pipeline_mode<synchronous>, transform_indices = @transform_2, window_bounds = array<i64: 1024, 256>}, {pipeline_mode = #tpu.pipeline_mode<synchronous>, transform_indices = @transform_3, window_bounds = array<i64: 256, 128>}, {pipeline_mode = #tpu.pipeline_mode<synchronous>, transform_indices = @transform_4, window_bounds = array<i64: 512, 128>}, {pipeline_mode = #tpu.pipeline_mode<synchronous>, transform_indices = @transform_5, window_bounds = array<i64: 128, 2>}, {pipeline_mode = #tpu.pipeline_mode<synchronous>, transform_indices = @transform_6, window_bounds = array<i64: 1, 2>}, {pipeline_mode = #tpu.pipeline_mode<synchronous>, transform_indices = @transform_7, window_bounds = array<i64: 1024, 2>}]} {
    %eq3A = arith.constant 0 : i32
    %eq3A_0 = arith.cmpi eq, %arg0, %eq3A : i32
    %convert_element_type3A = arith.extui %eq3A_0 : i1 to i32
    %cond3A = arith.constant 0 : i32
    %cond3A_1 = arith.cmpi ne, %convert_element_type3A, %cond3A : i32
    scf.if %cond3A_1 {
      %broadcast_in_dim3A = arith.constant 0.000000e+00 : f32
      %broadcast_in_dim3A_371 = vector.broadcast %broadcast_in_dim3A : f32 to vector<1024x128xf32>
      %swap3A_372 = arith.constant 0 : index
      %swap3A_373 = arith.constant 0 : index
      %swap3A_374 = vector.load %arg9[%swap3A_372, %swap3A_373] : memref<1024x128xf32, #tpu.memory_space<vmem>>, vector<1024x128xf32>
      tpu.vector_store %arg9[%swap3A_372, %swap3A_373], %broadcast_in_dim3A_371 {strides = array<i32>} : memref<1024x128xf32, #tpu.memory_space<vmem>>, vector<1024x128xf32>,
      %broadcast_in_dim3A_375 = arith.constant 0.000000e+00 : f32
      %broadcast_in_dim3A_376 = vector.broadcast %broadcast_in_dim3A_375 : f32 to vector<1024x128xf32>
      %swap3A_377 = arith.constant 0 : index
      %swap3A_378 = arith.constant 0 : index
      %swap3A_379 = vector.load %arg10[%swap3A_377, %swap3A_378] : memref<1024x128xf32, #tpu.memory_space<vmem>>, vector<1024x128xf32>
      tpu.vector_store %arg10[%swap3A_377, %swap3A_378], %broadcast_in_dim3A_376 {strides = array<i32>} : memref<1024x128xf32, #tpu.memory_space<vmem>>, vector<1024x128xf32>,
      %broadcast_in_dim3A_380 = arith.constant 0.000000e+00 : f32
      %broadcast_in_dim3A_381 = vector.broadcast %broadcast_in_dim3A_380 : f32 to vector<1024x128xf32>
      %swap3A_382 = arith.constant 0 : index
      %swap3A_383 = arith.constant 0 : index
      %swap3A_384 = vector.load %arg11[%swap3A_382, %swap3A_383] : memref<1024x128xf32, #tpu.memory_space<vmem>>, vector<1024x128xf32>
      tpu.vector_store %arg11[%swap3A_382, %swap3A_383], %broadcast_in_dim3A_381 {strides = array<i32>} : memref<1024x128xf32, #tpu.memory_space<vmem>>, vector<1024x128xf32>,
    } else {
    }
    %get3A = arith.constant 0 : index
    %get3A_2 = arith.constant 0 : index
    %get3A_3 = arith.constant 0 : index
    %get3A_4 = vector.load %arg1[%get3A, %get3A_2, %get3A_3] : memref<8x1024x128xbf16, #tpu.memory_space<vmem>>, vector<1x1024x128xbf16>
    %get3A_5 = vector.shape_cast %get3A_4 : vector<1x1024x128xbf16> to vector<1024x128xbf16>
    %get3A_6 = arith.constant 0 : index
    %get3A_7 = arith.constant 0 : index
    %get3A_8 = arith.constant 0 : index
    %get3A_9 = vector.load %arg2[%get3A_6, %get3A_7, %get3A_8] : memref<8x1024x128xbf16, #tpu.memory_space<vmem>>, vector<1x1024x128xbf16>
    %get3A_10 = vector.shape_cast %get3A_9 : vector<1x1024x128xbf16> to vector<1024x128xbf16>
    %get3A_11 = arith.constant 0 : index
    %get3A_12 = arith.constant 0 : index
    %get3A_13 = vector.load %arg3[%get3A_11, %get3A_12] : memref<1024x256xbf16, #tpu.memory_space<vmem>>, vector<1024x128xbf16>
    %mul3A = arith.mulf %get3A_5, %get3A_13 : vector<1024x128xbf16>
    %swap3A = arith.constant 0 : index
    %swap3A_14 = arith.constant 0 : index
    %swap3A_15 = vector.load %arg12[%swap3A, %swap3A_14] : memref<1024x256xbf16, #tpu.memory_space<vmem>>, vector<1024x128xbf16>
    tpu.vector_store %arg12[%swap3A, %swap3A_14], %mul3A {strides = array<i32>} : memref<1024x256xbf16, #tpu.memory_space<vmem>>, vector<1024x128xbf16>,
    %get3A_16 = arith.constant 0 : index
    %get3A_17 = arith.constant 128 : index
    %get3A_18 = vector.load %arg3[%get3A_16, %get3A_17] : memref<1024x256xbf16, #tpu.memory_space<vmem>>, vector<1024x128xbf16>
    %mul3A_19 = arith.mulf %get3A_10, %get3A_18 : vector<1024x128xbf16>
    %swap3A_20 = arith.constant 0 : index
    %swap3A_21 = arith.constant 128 : index
    %swap3A_22 = vector.load %arg12[%swap3A_20, %swap3A_21] : memref<1024x256xbf16, #tpu.memory_space<vmem>>, vector<1024x128xbf16>
    tpu.vector_store %arg12[%swap3A_20, %swap3A_21], %mul3A_19 {strides = array<i32>} : memref<1024x256xbf16, #tpu.memory_space<vmem>>, vector<1024x128xbf16>,
    %get3A_23 = arith.constant 0 : index
    %get3A_24 = arith.constant 0 : index
    %get3A_25 = vector.load %arg12[%get3A_23, %get3A_24] : memref<1024x256xbf16, #tpu.memory_space<vmem>>, vector<1024x256xbf16>
    %get3A_26 = arith.constant 0 : index
    %get3A_27 = arith.constant 0 : index
    %get3A_28 = vector.load %arg4[%get3A_26, %get3A_27] : memref<256x128xbf16, #tpu.memory_space<vmem>>, vector<256x128xbf16>
    %dot_general3A = arith.constant dense<0.000000e+00> : vector<1024x128xf32>
    %dot_general3A_29 = tpu.matmul %get3A_25, %get3A_28, %dot_general3A {dimension_numbers = #tpu.dot_dimension_numbers<[1], [0], [0], [1], [0, 0, 1, 1], [], []>, transpose_lhs_hint = false} : vector<1024x256xbf16>, vector<256x128xbf16>, vector<1024x128xf32> -> vector<1024x128xf32>
    %min3A = arith.constant 8.000000e+01 : f32
    %min3A_30 = vector.broadcast %min3A : f32 to vector<1024x128xf32>
    %min3A_31 = arith.minimumf %dot_general3A_29, %min3A_30 : vector<1024x128xf32>
    %exp3A = math.exp %min3A_31 : vector<1024x128xf32>
    %convert_element_type3A_32 = arith.extf %get3A_5 : vector<1024x128xbf16> to vector<1024x128xf32>
    %convert_element_type3A_33 = arith.extf %get3A_10 : vector<1024x128xbf16> to vector<1024x128xf32>
    %get3A_34 = arith.constant 1 : index
    %get3A_35 = arith.constant 0 : index
    %get3A_36 = arith.constant 0 : index
    %get3A_37 = vector.load %arg1[%get3A_34, %get3A_35, %get3A_36] : memref<8x1024x128xbf16, #tpu.memory_space<vmem>>, vector<1x1024x128xbf16>
    %get3A_38 = vector.shape_cast %get3A_37 : vector<1x1024x128xbf16> to vector<1024x128xbf16>
    %get3A_39 = arith.constant 1 : index
    %get3A_40 = arith.constant 0 : index
    %get3A_41 = arith.constant 0 : index
    %get3A_42 = vector.load %arg2[%get3A_39, %get3A_40, %get3A_41] : memref<8x1024x128xbf16, #tpu.memory_space<vmem>>, vector<1x1024x128xbf16>
    %get3A_43 = vector.shape_cast %get3A_42 : vector<1x1024x128xbf16> to vector<1024x128xbf16>
    %get3A_44 = arith.constant 0 : index
    %get3A_45 = arith.constant 0 : index
    %get3A_46 = vector.load %arg3[%get3A_44, %get3A_45] : memref<1024x256xbf16, #tpu.memory_space<vmem>>, vector<1024x128xbf16>
    %mul3A_47 = arith.mulf %get3A_38, %get3A_46 : vector<1024x128xbf16>
    %swap3A_48 = arith.constant 0 : index
    %swap3A_49 = arith.constant 0 : index
    %swap3A_50 = vector.load %arg12[%swap3A_48, %swap3A_49] : memref<1024x256xbf16, #tpu.memory_space<vmem>>, vector<1024x128xbf16>
    tpu.vector_store %arg12[%swap3A_48, %swap3A_49], %mul3A_47 {strides = array<i32>} : memref<1024x256xbf16, #tpu.memory_space<vmem>>, vector<1024x128xbf16>,
    %get3A_51 = arith.constant 0 : index
    %get3A_52 = arith.constant 128 : index
    %get3A_53 = vector.load %arg3[%get3A_51, %get3A_52] : memref<1024x256xbf16, #tpu.memory_space<vmem>>, vector<1024x128xbf16>
    %mul3A_54 = arith.mulf %get3A_43, %get3A_53 : vector<1024x128xbf16>
    %swap3A_55 = arith.constant 0 : index
    %swap3A_56 = arith.constant 128 : index
    %swap3A_57 = vector.load %arg12[%swap3A_55, %swap3A_56] : memref<1024x256xbf16, #tpu.memory_space<vmem>>, vector<1024x128xbf16>
    tpu.vector_store %arg12[%swap3A_55, %swap3A_56], %mul3A_54 {strides = array<i32>} : memref<1024x256xbf16, #tpu.memory_space<vmem>>, vector<1024x128xbf16>,
    %get3A_58 = arith.constant 0 : index
    %get3A_59 = arith.constant 0 : index
    %get3A_60 = vector.load %arg12[%get3A_58, %get3A_59] : memref<1024x256xbf16, #tpu.memory_space<vmem>>, vector<1024x256xbf16>
    %get3A_61 = arith.constant 0 : index
    %get3A_62 = arith.constant 0 : index
    %get3A_63 = vector.load %arg4[%get3A_61, %get3A_62] : memref<256x128xbf16, #tpu.memory_space<vmem>>, vector<256x128xbf16>
    %dot_general3A_64 = arith.constant dense<0.000000e+00> : vector<1024x128xf32>
    %dot_general3A_65 = tpu.matmul %get3A_60, %get3A_63, %dot_general3A_64 {dimension_numbers = #tpu.dot_dimension_numbers<[1], [0], [0], [1], [0, 0, 1, 1], [], []>, transpose_lhs_hint = false} : vector<1024x256xbf16>, vector<256x128xbf16>, vector<1024x128xf32> -> vector<1024x128xf32>
    %min3A_66 = arith.constant 8.000000e+01 : f32
    %min3A_67 = vector.broadcast %min3A_66 : f32 to vector<1024x128xf32>
    %min3A_68 = arith.minimumf %dot_general3A_65, %min3A_67 : vector<1024x128xf32>
    %exp3A_69 = math.exp %min3A_68 : vector<1024x128xf32>
    %convert_element_type3A_70 = arith.extf %get3A_38 : vector<1024x128xbf16> to vector<1024x128xf32>
    %convert_element_type3A_71 = arith.extf %get3A_43 : vector<1024x128xbf16> to vector<1024x128xf32>
    %get3A_72 = arith.constant 2 : index
    %get3A_73 = arith.constant 0 : index
    %get3A_74 = arith.constant 0 : index
    %get3A_75 = vector.load %arg1[%get3A_72, %get3A_73, %get3A_74] : memref<8x1024x128xbf16, #tpu.memory_space<vmem>>, vector<1x1024x128xbf16>
    %get3A_76 = vector.shape_cast %get3A_75 : vector<1x1024x128xbf16> to vector<1024x128xbf16>
    %get3A_77 = arith.constant 2 : index
    %get3A_78 = arith.constant 0 : index
    %get3A_79 = arith.constant 0 : index
    %get3A_80 = vector.load %arg2[%get3A_77, %get3A_78, %get3A_79] : memref<8x1024x128xbf16, #tpu.memory_space<vmem>>, vector<1x1024x128xbf16>
    %get3A_81 = vector.shape_cast %get3A_80 : vector<1x1024x128xbf16> to vector<1024x128xbf16>
    %get3A_82 = arith.constant 0 : index
    %get3A_83 = arith.constant 0 : index
    %get3A_84 = vector.load %arg3[%get3A_82, %get3A_83] : memref<1024x256xbf16, #tpu.memory_space<vmem>>, vector<1024x128xbf16>
    %mul3A_85 = arith.mulf %get3A_76, %get3A_84 : vector<1024x128xbf16>
    %swap3A_86 = arith.constant 0 : index
    %swap3A_87 = arith.constant 0 : index
    %swap3A_88 = vector.load %arg12[%swap3A_86, %swap3A_87] : memref<1024x256xbf16, #tpu.memory_space<vmem>>, vector<1024x128xbf16>
    tpu.vector_store %arg12[%swap3A_86, %swap3A_87], %mul3A_85 {strides = array<i32>} : memref<1024x256xbf16, #tpu.memory_space<vmem>>, vector<1024x128xbf16>,
    %get3A_89 = arith.constant 0 : index
    %get3A_90 = arith.constant 128 : index
    %get3A_91 = vector.load %arg3[%get3A_89, %get3A_90] : memref<1024x256xbf16, #tpu.memory_space<vmem>>, vector<1024x128xbf16>
    %mul3A_92 = arith.mulf %get3A_81, %get3A_91 : vector<1024x128xbf16>
    %swap3A_93 = arith.constant 0 : index
    %swap3A_94 = arith.constant 128 : index
    %swap3A_95 = vector.load %arg12[%swap3A_93, %swap3A_94] : memref<1024x256xbf16, #tpu.memory_space<vmem>>, vector<1024x128xbf16>
    tpu.vector_store %arg12[%swap3A_93, %swap3A_94], %mul3A_92 {strides = array<i32>} : memref<1024x256xbf16, #tpu.memory_space<vmem>>, vector<1024x128xbf16>,
    %get3A_96 = arith.constant 0 : index
    %get3A_97 = arith.constant 0 : index
    %get3A_98 = vector.load %arg12[%get3A_96, %get3A_97] : memref<1024x256xbf16, #tpu.memory_space<vmem>>, vector<1024x256xbf16>
    %get3A_99 = arith.constant 0 : index
    %get3A_100 = arith.constant 0 : index
    %get3A_101 = vector.load %arg4[%get3A_99, %get3A_100] : memref<256x128xbf16, #tpu.memory_space<vmem>>, vector<256x128xbf16>
    %dot_general3A_102 = arith.constant dense<0.000000e+00> : vector<1024x128xf32>
    %dot_general3A_103 = tpu.matmul %get3A_98, %get3A_101, %dot_general3A_102 {dimension_numbers = #tpu.dot_dimension_numbers<[1], [0], [0], [1], [0, 0, 1, 1], [], []>, transpose_lhs_hint = false} : vector<1024x256xbf16>, vector<256x128xbf16>, vector<1024x128xf32> -> vector<1024x128xf32>
    %min3A_104 = arith.constant 8.000000e+01 : f32
    %min3A_105 = vector.broadcast %min3A_104 : f32 to vector<1024x128xf32>
    %min3A_106 = arith.minimumf %dot_general3A_103, %min3A_105 : vector<1024x128xf32>
    %exp3A_107 = math.exp %min3A_106 : vector<1024x128xf32>
    %convert_element_type3A_108 = arith.extf %get3A_76 : vector<1024x128xbf16> to vector<1024x128xf32>
    %convert_element_type3A_109 = arith.extf %get3A_81 : vector<1024x128xbf16> to vector<1024x128xf32>
    %get3A_110 = arith.constant 3 : index
    %get3A_111 = arith.constant 0 : index
    %get3A_112 = arith.constant 0 : index
    %get3A_113 = vector.load %arg1[%get3A_110, %get3A_111, %get3A_112] : memref<8x1024x128xbf16, #tpu.memory_space<vmem>>, vector<1x1024x128xbf16>
    %get3A_114 = vector.shape_cast %get3A_113 : vector<1x1024x128xbf16> to vector<1024x128xbf16>
    %get3A_115 = arith.constant 3 : index
    %get3A_116 = arith.constant 0 : index
    %get3A_117 = arith.constant 0 : index
    %get3A_118 = vector.load %arg2[%get3A_115, %get3A_116, %get3A_117] : memref<8x1024x128xbf16, #tpu.memory_space<vmem>>, vector<1x1024x128xbf16>
    %get3A_119 = vector.shape_cast %get3A_118 : vector<1x1024x128xbf16> to vector<1024x128xbf16>
    %get3A_120 = arith.constant 0 : index
    %get3A_121 = arith.constant 0 : index
    %get3A_122 = vector.load %arg3[%get3A_120, %get3A_121] : memref<1024x256xbf16, #tpu.memory_space<vmem>>, vector<1024x128xbf16>
    %mul3A_123 = arith.mulf %get3A_114, %get3A_122 : vector<1024x128xbf16>
    %swap3A_124 = arith.constant 0 : index
    %swap3A_125 = arith.constant 0 : index
    %swap3A_126 = vector.load %arg12[%swap3A_124, %swap3A_125] : memref<1024x256xbf16, #tpu.memory_space<vmem>>, vector<1024x128xbf16>
    tpu.vector_store %arg12[%swap3A_124, %swap3A_125], %mul3A_123 {strides = array<i32>} : memref<1024x256xbf16, #tpu.memory_space<vmem>>, vector<1024x128xbf16>,
    %get3A_127 = arith.constant 0 : index
    %get3A_128 = arith.constant 128 : index
    %get3A_129 = vector.load %arg3[%get3A_127, %get3A_128] : memref<1024x256xbf16, #tpu.memory_space<vmem>>, vector<1024x128xbf16>
    %mul3A_130 = arith.mulf %get3A_119, %get3A_129 : vector<1024x128xbf16>
    %swap3A_131 = arith.constant 0 : index
    %swap3A_132 = arith.constant 128 : index
    %swap3A_133 = vector.load %arg12[%swap3A_131, %swap3A_132] : memref<1024x256xbf16, #tpu.memory_space<vmem>>, vector<1024x128xbf16>
    tpu.vector_store %arg12[%swap3A_131, %swap3A_132], %mul3A_130 {strides = array<i32>} : memref<1024x256xbf16, #tpu.memory_space<vmem>>, vector<1024x128xbf16>,
    %get3A_134 = arith.constant 0 : index
    %get3A_135 = arith.constant 0 : index
    %get3A_136 = vector.load %arg12[%get3A_134, %get3A_135] : memref<1024x256xbf16, #tpu.memory_space<vmem>>, vector<1024x256xbf16>
    %get3A_137 = arith.constant 0 : index
    %get3A_138 = arith.constant 0 : index
    %get3A_139 = vector.load %arg4[%get3A_137, %get3A_138] : memref<256x128xbf16, #tpu.memory_space<vmem>>, vector<256x128xbf16>
    %dot_general3A_140 = arith.constant dense<0.000000e+00> : vector<1024x128xf32>
    %dot_general3A_141 = tpu.matmul %get3A_136, %get3A_139, %dot_general3A_140 {dimension_numbers = #tpu.dot_dimension_numbers<[1], [0], [0], [1], [0, 0, 1, 1], [], []>, transpose_lhs_hint = false} : vector<1024x256xbf16>, vector<256x128xbf16>, vector<1024x128xf32> -> vector<1024x128xf32>
    %min3A_142 = arith.constant 8.000000e+01 : f32
    %min3A_143 = vector.broadcast %min3A_142 : f32 to vector<1024x128xf32>
    %min3A_144 = arith.minimumf %dot_general3A_141, %min3A_143 : vector<1024x128xf32>
    %exp3A_145 = math.exp %min3A_144 : vector<1024x128xf32>
    %convert_element_type3A_146 = arith.extf %get3A_114 : vector<1024x128xbf16> to vector<1024x128xf32>
    %convert_element_type3A_147 = arith.extf %get3A_119 : vector<1024x128xbf16> to vector<1024x128xf32>
    %get3A_148 = arith.constant 4 : index
    %get3A_149 = arith.constant 0 : index
    %get3A_150 = arith.constant 0 : index
    %get3A_151 = vector.load %arg1[%get3A_148, %get3A_149, %get3A_150] : memref<8x1024x128xbf16, #tpu.memory_space<vmem>>, vector<1x1024x128xbf16>
    %get3A_152 = vector.shape_cast %get3A_151 : vector<1x1024x128xbf16> to vector<1024x128xbf16>
    %get3A_153 = arith.constant 4 : index
    %get3A_154 = arith.constant 0 : index
    %get3A_155 = arith.constant 0 : index
    %get3A_156 = vector.load %arg2[%get3A_153, %get3A_154, %get3A_155] : memref<8x1024x128xbf16, #tpu.memory_space<vmem>>, vector<1x1024x128xbf16>
    %get3A_157 = vector.shape_cast %get3A_156 : vector<1x1024x128xbf16> to vector<1024x128xbf16>
    %get3A_158 = arith.constant 0 : index
    %get3A_159 = arith.constant 0 : index
    %get3A_160 = vector.load %arg3[%get3A_158, %get3A_159] : memref<1024x256xbf16, #tpu.memory_space<vmem>>, vector<1024x128xbf16>
    %mul3A_161 = arith.mulf %get3A_152, %get3A_160 : vector<1024x128xbf16>
    %swap3A_162 = arith.constant 0 : index
    %swap3A_163 = arith.constant 0 : index
    %swap3A_164 = vector.load %arg12[%swap3A_162, %swap3A_163] : memref<1024x256xbf16, #tpu.memory_space<vmem>>, vector<1024x128xbf16>
    tpu.vector_store %arg12[%swap3A_162, %swap3A_163], %mul3A_161 {strides = array<i32>} : memref<1024x256xbf16, #tpu.memory_space<vmem>>, vector<1024x128xbf16>,
    %get3A_165 = arith.constant 0 : index
    %get3A_166 = arith.constant 128 : index
    %get3A_167 = vector.load %arg3[%get3A_165, %get3A_166] : memref<1024x256xbf16, #tpu.memory_space<vmem>>, vector<1024x128xbf16>
    %mul3A_168 = arith.mulf %get3A_157, %get3A_167 : vector<1024x128xbf16>
    %swap3A_169 = arith.constant 0 : index
    %swap3A_170 = arith.constant 128 : index
    %swap3A_171 = vector.load %arg12[%swap3A_169, %swap3A_170] : memref<1024x256xbf16, #tpu.memory_space<vmem>>, vector<1024x128xbf16>
    tpu.vector_store %arg12[%swap3A_169, %swap3A_170], %mul3A_168 {strides = array<i32>} : memref<1024x256xbf16, #tpu.memory_space<vmem>>, vector<1024x128xbf16>,
    %get3A_172 = arith.constant 0 : index
    %get3A_173 = arith.constant 0 : index
    %get3A_174 = vector.load %arg12[%get3A_172, %get3A_173] : memref<1024x256xbf16, #tpu.memory_space<vmem>>, vector<1024x256xbf16>
    %get3A_175 = arith.constant 0 : index
    %get3A_176 = arith.constant 0 : index
    %get3A_177 = vector.load %arg4[%get3A_175, %get3A_176] : memref<256x128xbf16, #tpu.memory_space<vmem>>, vector<256x128xbf16>
    %dot_general3A_178 = arith.constant dense<0.000000e+00> : vector<1024x128xf32>
    %dot_general3A_179 = tpu.matmul %get3A_174, %get3A_177, %dot_general3A_178 {dimension_numbers = #tpu.dot_dimension_numbers<[1], [0], [0], [1], [0, 0, 1, 1], [], []>, transpose_lhs_hint = false} : vector<1024x256xbf16>, vector<256x128xbf16>, vector<1024x128xf32> -> vector<1024x128xf32>
    %min3A_180 = arith.constant 8.000000e+01 : f32
    %min3A_181 = vector.broadcast %min3A_180 : f32 to vector<1024x128xf32>
    %min3A_182 = arith.minimumf %dot_general3A_179, %min3A_181 : vector<1024x128xf32>
    %exp3A_183 = math.exp %min3A_182 : vector<1024x128xf32>
    %convert_element_type3A_184 = arith.extf %get3A_152 : vector<1024x128xbf16> to vector<1024x128xf32>
    %convert_element_type3A_185 = arith.extf %get3A_157 : vector<1024x128xbf16> to vector<1024x128xf32>
    %get3A_186 = arith.constant 5 : index
    %get3A_187 = arith.constant 0 : index
    %get3A_188 = arith.constant 0 : index
    %get3A_189 = vector.load %arg1[%get3A_186, %get3A_187, %get3A_188] : memref<8x1024x128xbf16, #tpu.memory_space<vmem>>, vector<1x1024x128xbf16>
    %get3A_190 = vector.shape_cast %get3A_189 : vector<1x1024x128xbf16> to vector<1024x128xbf16>
    %get3A_191 = arith.constant 5 : index
    %get3A_192 = arith.constant 0 : index
    %get3A_193 = arith.constant 0 : index
    %get3A_194 = vector.load %arg2[%get3A_191, %get3A_192, %get3A_193] : memref<8x1024x128xbf16, #tpu.memory_space<vmem>>, vector<1x1024x128xbf16>
    %get3A_195 = vector.shape_cast %get3A_194 : vector<1x1024x128xbf16> to vector<1024x128xbf16>
    %get3A_196 = arith.constant 0 : index
    %get3A_197 = arith.constant 0 : index
    %get3A_198 = vector.load %arg3[%get3A_196, %get3A_197] : memref<1024x256xbf16, #tpu.memory_space<vmem>>, vector<1024x128xbf16>
    %mul3A_199 = arith.mulf %get3A_190, %get3A_198 : vector<1024x128xbf16>
    %swap3A_200 = arith.constant 0 : index
    %swap3A_201 = arith.constant 0 : index
    %swap3A_202 = vector.load %arg12[%swap3A_200, %swap3A_201] : memref<1024x256xbf16, #tpu.memory_space<vmem>>, vector<1024x128xbf16>
    tpu.vector_store %arg12[%swap3A_200, %swap3A_201], %mul3A_199 {strides = array<i32>} : memref<1024x256xbf16, #tpu.memory_space<vmem>>, vector<1024x128xbf16>,
    %get3A_203 = arith.constant 0 : index
    %get3A_204 = arith.constant 128 : index
    %get3A_205 = vector.load %arg3[%get3A_203, %get3A_204] : memref<1024x256xbf16, #tpu.memory_space<vmem>>, vector<1024x128xbf16>
    %mul3A_206 = arith.mulf %get3A_195, %get3A_205 : vector<1024x128xbf16>
    %swap3A_207 = arith.constant 0 : index
    %swap3A_208 = arith.constant 128 : index
    %swap3A_209 = vector.load %arg12[%swap3A_207, %swap3A_208] : memref<1024x256xbf16, #tpu.memory_space<vmem>>, vector<1024x128xbf16>
    tpu.vector_store %arg12[%swap3A_207, %swap3A_208], %mul3A_206 {strides = array<i32>} : memref<1024x256xbf16, #tpu.memory_space<vmem>>, vector<1024x128xbf16>,
    %get3A_210 = arith.constant 0 : index
    %get3A_211 = arith.constant 0 : index
    %get3A_212 = vector.load %arg12[%get3A_210, %get3A_211] : memref<1024x256xbf16, #tpu.memory_space<vmem>>, vector<1024x256xbf16>
    %get3A_213 = arith.constant 0 : index
    %get3A_214 = arith.constant 0 : index
    %get3A_215 = vector.load %arg4[%get3A_213, %get3A_214] : memref<256x128xbf16, #tpu.memory_space<vmem>>, vector<256x128xbf16>
    %dot_general3A_216 = arith.constant dense<0.000000e+00> : vector<1024x128xf32>
    %dot_general3A_217 = tpu.matmul %get3A_212, %get3A_215, %dot_general3A_216 {dimension_numbers = #tpu.dot_dimension_numbers<[1], [0], [0], [1], [0, 0, 1, 1], [], []>, transpose_lhs_hint = false} : vector<1024x256xbf16>, vector<256x128xbf16>, vector<1024x128xf32> -> vector<1024x128xf32>
    %min3A_218 = arith.constant 8.000000e+01 : f32
    %min3A_219 = vector.broadcast %min3A_218 : f32 to vector<1024x128xf32>
    %min3A_220 = arith.minimumf %dot_general3A_217, %min3A_219 : vector<1024x128xf32>
    %exp3A_221 = math.exp %min3A_220 : vector<1024x128xf32>
    %convert_element_type3A_222 = arith.extf %get3A_190 : vector<1024x128xbf16> to vector<1024x128xf32>
    %convert_element_type3A_223 = arith.extf %get3A_195 : vector<1024x128xbf16> to vector<1024x128xf32>
    %get3A_224 = arith.constant 6 : index
    %get3A_225 = arith.constant 0 : index
    %get3A_226 = arith.constant 0 : index
    %get3A_227 = vector.load %arg1[%get3A_224, %get3A_225, %get3A_226] : memref<8x1024x128xbf16, #tpu.memory_space<vmem>>, vector<1x1024x128xbf16>
    %get3A_228 = vector.shape_cast %get3A_227 : vector<1x1024x128xbf16> to vector<1024x128xbf16>
    %get3A_229 = arith.constant 6 : index
    %get3A_230 = arith.constant 0 : index
    %get3A_231 = arith.constant 0 : index
    %get3A_232 = vector.load %arg2[%get3A_229, %get3A_230, %get3A_231] : memref<8x1024x128xbf16, #tpu.memory_space<vmem>>, vector<1x1024x128xbf16>
    %get3A_233 = vector.shape_cast %get3A_232 : vector<1x1024x128xbf16> to vector<1024x128xbf16>
    %get3A_234 = arith.constant 0 : index
    %get3A_235 = arith.constant 0 : index
    %get3A_236 = vector.load %arg3[%get3A_234, %get3A_235] : memref<1024x256xbf16, #tpu.memory_space<vmem>>, vector<1024x128xbf16>
    %mul3A_237 = arith.mulf %get3A_228, %get3A_236 : vector<1024x128xbf16>
    %swap3A_238 = arith.constant 0 : index
    %swap3A_239 = arith.constant 0 : index
    %swap3A_240 = vector.load %arg12[%swap3A_238, %swap3A_239] : memref<1024x256xbf16, #tpu.memory_space<vmem>>, vector<1024x128xbf16>
    tpu.vector_store %arg12[%swap3A_238, %swap3A_239], %mul3A_237 {strides = array<i32>} : memref<1024x256xbf16, #tpu.memory_space<vmem>>, vector<1024x128xbf16>,
    %get3A_241 = arith.constant 0 : index
    %get3A_242 = arith.constant 128 : index
    %get3A_243 = vector.load %arg3[%get3A_241, %get3A_242] : memref<1024x256xbf16, #tpu.memory_space<vmem>>, vector<1024x128xbf16>
    %mul3A_244 = arith.mulf %get3A_233, %get3A_243 : vector<1024x128xbf16>
    %swap3A_245 = arith.constant 0 : index
    %swap3A_246 = arith.constant 128 : index
    %swap3A_247 = vector.load %arg12[%swap3A_245, %swap3A_246] : memref<1024x256xbf16, #tpu.memory_space<vmem>>, vector<1024x128xbf16>
    tpu.vector_store %arg12[%swap3A_245, %swap3A_246], %mul3A_244 {strides = array<i32>} : memref<1024x256xbf16, #tpu.memory_space<vmem>>, vector<1024x128xbf16>,
    %get3A_248 = arith.constant 0 : index
    %get3A_249 = arith.constant 0 : index
    %get3A_250 = vector.load %arg12[%get3A_248, %get3A_249] : memref<1024x256xbf16, #tpu.memory_space<vmem>>, vector<1024x256xbf16>
    %get3A_251 = arith.constant 0 : index
    %get3A_252 = arith.constant 0 : index
    %get3A_253 = vector.load %arg4[%get3A_251, %get3A_252] : memref<256x128xbf16, #tpu.memory_space<vmem>>, vector<256x128xbf16>
    %dot_general3A_254 = arith.constant dense<0.000000e+00> : vector<1024x128xf32>
    %dot_general3A_255 = tpu.matmul %get3A_250, %get3A_253, %dot_general3A_254 {dimension_numbers = #tpu.dot_dimension_numbers<[1], [0], [0], [1], [0, 0, 1, 1], [], []>, transpose_lhs_hint = false} : vector<1024x256xbf16>, vector<256x128xbf16>, vector<1024x128xf32> -> vector<1024x128xf32>
    %min3A_256 = arith.constant 8.000000e+01 : f32
    %min3A_257 = vector.broadcast %min3A_256 : f32 to vector<1024x128xf32>
    %min3A_258 = arith.minimumf %dot_general3A_255, %min3A_257 : vector<1024x128xf32>
    %exp3A_259 = math.exp %min3A_258 : vector<1024x128xf32>
    %convert_element_type3A_260 = arith.extf %get3A_228 : vector<1024x128xbf16> to vector<1024x128xf32>
    %convert_element_type3A_261 = arith.extf %get3A_233 : vector<1024x128xbf16> to vector<1024x128xf32>
    %get3A_262 = arith.constant 7 : index
    %get3A_263 = arith.constant 0 : index
    %get3A_264 = arith.constant 0 : index
    %get3A_265 = vector.load %arg1[%get3A_262, %get3A_263, %get3A_264] : memref<8x1024x128xbf16, #tpu.memory_space<vmem>>, vector<1x1024x128xbf16>
    %get3A_266 = vector.shape_cast %get3A_265 : vector<1x1024x128xbf16> to vector<1024x128xbf16>
    %get3A_267 = arith.constant 7 : index
    %get3A_268 = arith.constant 0 : index
    %get3A_269 = arith.constant 0 : index
    %get3A_270 = vector.load %arg2[%get3A_267, %get3A_268, %get3A_269] : memref<8x1024x128xbf16, #tpu.memory_space<vmem>>, vector<1x1024x128xbf16>
    %get3A_271 = vector.shape_cast %get3A_270 : vector<1x1024x128xbf16> to vector<1024x128xbf16>
    %get3A_272 = arith.constant 0 : index
    %get3A_273 = arith.constant 0 : index
    %get3A_274 = vector.load %arg3[%get3A_272, %get3A_273] : memref<1024x256xbf16, #tpu.memory_space<vmem>>, vector<1024x128xbf16>
    %mul3A_275 = arith.mulf %get3A_266, %get3A_274 : vector<1024x128xbf16>
    %swap3A_276 = arith.constant 0 : index
    %swap3A_277 = arith.constant 0 : index
    %swap3A_278 = vector.load %arg12[%swap3A_276, %swap3A_277] : memref<1024x256xbf16, #tpu.memory_space<vmem>>, vector<1024x128xbf16>
    tpu.vector_store %arg12[%swap3A_276, %swap3A_277], %mul3A_275 {strides = array<i32>} : memref<1024x256xbf16, #tpu.memory_space<vmem>>, vector<1024x128xbf16>,
    %get3A_279 = arith.constant 0 : index
    %get3A_280 = arith.constant 128 : index
    %get3A_281 = vector.load %arg3[%get3A_279, %get3A_280] : memref<1024x256xbf16, #tpu.memory_space<vmem>>, vector<1024x128xbf16>
    %mul3A_282 = arith.mulf %get3A_271, %get3A_281 : vector<1024x128xbf16>
    %swap3A_283 = arith.constant 0 : index
    %swap3A_284 = arith.constant 128 : index
    %swap3A_285 = vector.load %arg12[%swap3A_283, %swap3A_284] : memref<1024x256xbf16, #tpu.memory_space<vmem>>, vector<1024x128xbf16>
    tpu.vector_store %arg12[%swap3A_283, %swap3A_284], %mul3A_282 {strides = array<i32>} : memref<1024x256xbf16, #tpu.memory_space<vmem>>, vector<1024x128xbf16>,
    %get3A_286 = arith.constant 0 : index
    %get3A_287 = arith.constant 0 : index
    %get3A_288 = vector.load %arg12[%get3A_286, %get3A_287] : memref<1024x256xbf16, #tpu.memory_space<vmem>>, vector<1024x256xbf16>
    %get3A_289 = arith.constant 0 : index
    %get3A_290 = arith.constant 0 : index
    %get3A_291 = vector.load %arg4[%get3A_289, %get3A_290] : memref<256x128xbf16, #tpu.memory_space<vmem>>, vector<256x128xbf16>
    %dot_general3A_292 = arith.constant dense<0.000000e+00> : vector<1024x128xf32>
    %dot_general3A_293 = tpu.matmul %get3A_288, %get3A_291, %dot_general3A_292 {dimension_numbers = #tpu.dot_dimension_numbers<[1], [0], [0], [1], [0, 0, 1, 1], [], []>, transpose_lhs_hint = false} : vector<1024x256xbf16>, vector<256x128xbf16>, vector<1024x128xf32> -> vector<1024x128xf32>
    %min3A_294 = arith.constant 8.000000e+01 : f32
    %min3A_295 = vector.broadcast %min3A_294 : f32 to vector<1024x128xf32>
    %min3A_296 = arith.minimumf %dot_general3A_293, %min3A_295 : vector<1024x128xf32>
    %exp3A_297 = math.exp %min3A_296 : vector<1024x128xf32>
    %convert_element_type3A_298 = arith.extf %get3A_266 : vector<1024x128xbf16> to vector<1024x128xf32>
    %convert_element_type3A_299 = arith.extf %get3A_271 : vector<1024x128xbf16> to vector<1024x128xf32>
    %get3A_300 = arith.constant 0 : index
    %get3A_301 = arith.constant 0 : index
    %get3A_302 = vector.load %arg9[%get3A_300, %get3A_301] : memref<1024x128xf32, #tpu.memory_space<vmem>>, vector<1024x128xf32>
    %add3A = arith.constant 0.000000e+00 : f32
    %add3A_303 = vector.broadcast %add3A : f32 to vector<1024x128xf32>
    %add3A_304 = arith.addf %add3A_303, %exp3A : vector<1024x128xf32>
    %add3A_305 = arith.addf %add3A_304, %exp3A_69 : vector<1024x128xf32>
    %add3A_306 = arith.addf %add3A_305, %exp3A_107 : vector<1024x128xf32>
    %add3A_307 = arith.addf %add3A_306, %exp3A_145 : vector<1024x128xf32>
    %add3A_308 = arith.addf %add3A_307, %exp3A_183 : vector<1024x128xf32>
    %add3A_309 = arith.addf %add3A_308, %exp3A_221 : vector<1024x128xf32>
    %add3A_310 = arith.addf %add3A_309, %exp3A_259 : vector<1024x128xf32>
    %add3A_311 = arith.addf %add3A_310, %exp3A_297 : vector<1024x128xf32>
    %add3A_312 = arith.addf %get3A_302, %add3A_311 : vector<1024x128xf32>
    %swap3A_313 = arith.constant 0 : index
    %swap3A_314 = arith.constant 0 : index
    %swap3A_315 = vector.load %arg9[%swap3A_313, %swap3A_314] : memref<1024x128xf32, #tpu.memory_space<vmem>>, vector<1024x128xf32>
    tpu.vector_store %arg9[%swap3A_313, %swap3A_314], %add3A_312 {strides = array<i32>} : memref<1024x128xf32, #tpu.memory_space<vmem>>, vector<1024x128xf32>,
    %get3A_316 = arith.constant 0 : index
    %get3A_317 = arith.constant 0 : index
    %get3A_318 = vector.load %arg10[%get3A_316, %get3A_317] : memref<1024x128xf32, #tpu.memory_space<vmem>>, vector<1024x128xf32>
    %mul3A_319 = arith.mulf %exp3A, %convert_element_type3A_32 : vector<1024x128xf32>
    %add3A_320 = arith.constant 0.000000e+00 : f32
    %add3A_321 = vector.broadcast %add3A_320 : f32 to vector<1024x128xf32>
    %add3A_322 = arith.addf %add3A_321, %mul3A_319 : vector<1024x128xf32>
    %mul3A_323 = arith.mulf %exp3A_69, %convert_element_type3A_70 : vector<1024x128xf32>
    %add3A_324 = arith.addf %add3A_322, %mul3A_323 : vector<1024x128xf32>
    %mul3A_325 = arith.mulf %exp3A_107, %convert_element_type3A_108 : vector<1024x128xf32>
    %add3A_326 = arith.addf %add3A_324, %mul3A_325 : vector<1024x128xf32>
    %mul3A_327 = arith.mulf %exp3A_145, %convert_element_type3A_146 : vector<1024x128xf32>
    %add3A_328 = arith.addf %add3A_326, %mul3A_327 : vector<1024x128xf32>
    %mul3A_329 = arith.mulf %exp3A_183, %convert_element_type3A_184 : vector<1024x128xf32>
    %add3A_330 = arith.addf %add3A_328, %mul3A_329 : vector<1024x128xf32>
    %mul3A_331 = arith.mulf %exp3A_221, %convert_element_type3A_222 : vector<1024x128xf32>
    %add3A_332 = arith.addf %add3A_330, %mul3A_331 : vector<1024x128xf32>
    %mul3A_333 = arith.mulf %exp3A_259, %convert_element_type3A_260 : vector<1024x128xf32>
    %add3A_334 = arith.addf %add3A_332, %mul3A_333 : vector<1024x128xf32>
    %mul3A_335 = arith.mulf %exp3A_297, %convert_element_type3A_298 : vector<1024x128xf32>
    %add3A_336 = arith.addf %add3A_334, %mul3A_335 : vector<1024x128xf32>
    %add3A_337 = arith.addf %get3A_318, %add3A_336 : vector<1024x128xf32>
    %swap3A_338 = arith.constant 0 : index
    %swap3A_339 = arith.constant 0 : index
    %swap3A_340 = vector.load %arg10[%swap3A_338, %swap3A_339] : memref<1024x128xf32, #tpu.memory_space<vmem>>, vector<1024x128xf32>
    tpu.vector_store %arg10[%swap3A_338, %swap3A_339], %add3A_337 {strides = array<i32>} : memref<1024x128xf32, #tpu.memory_space<vmem>>, vector<1024x128xf32>,
    %get3A_341 = arith.constant 0 : index
    %get3A_342 = arith.constant 0 : index
    %get3A_343 = vector.load %arg11[%get3A_341, %get3A_342] : memref<1024x128xf32, #tpu.memory_space<vmem>>, vector<1024x128xf32>
    %mul3A_344 = arith.mulf %exp3A, %convert_element_type3A_33 : vector<1024x128xf32>
    %add3A_345 = arith.constant 0.000000e+00 : f32
    %add3A_346 = vector.broadcast %add3A_345 : f32 to vector<1024x128xf32>
    %add3A_347 = arith.addf %add3A_346, %mul3A_344 : vector<1024x128xf32>
    %mul3A_348 = arith.mulf %exp3A_69, %convert_element_type3A_71 : vector<1024x128xf32>
    %add3A_349 = arith.addf %add3A_347, %mul3A_348 : vector<1024x128xf32>
    %mul3A_350 = arith.mulf %exp3A_107, %convert_element_type3A_109 : vector<1024x128xf32>
    %add3A_351 = arith.addf %add3A_349, %mul3A_350 : vector<1024x128xf32>
    %mul3A_352 = arith.mulf %exp3A_145, %convert_element_type3A_147 : vector<1024x128xf32>
    %add3A_353 = arith.addf %add3A_351, %mul3A_352 : vector<1024x128xf32>
    %mul3A_354 = arith.mulf %exp3A_183, %convert_element_type3A_185 : vector<1024x128xf32>
    %add3A_355 = arith.addf %add3A_353, %mul3A_354 : vector<1024x128xf32>
    %mul3A_356 = arith.mulf %exp3A_221, %convert_element_type3A_223 : vector<1024x128xf32>
    %add3A_357 = arith.addf %add3A_355, %mul3A_356 : vector<1024x128xf32>
    %mul3A_358 = arith.mulf %exp3A_259, %convert_element_type3A_261 : vector<1024x128xf32>
    %add3A_359 = arith.addf %add3A_357, %mul3A_358 : vector<1024x128xf32>
    %mul3A_360 = arith.mulf %exp3A_297, %convert_element_type3A_299 : vector<1024x128xf32>
    %add3A_361 = arith.addf %add3A_359, %mul3A_360 : vector<1024x128xf32>
    %add3A_362 = arith.addf %get3A_343, %add3A_361 : vector<1024x128xf32>
    %swap3A_363 = arith.constant 0 : index
    %swap3A_364 = arith.constant 0 : index
    %swap3A_365 = vector.load %arg11[%swap3A_363, %swap3A_364] : memref<1024x128xf32, #tpu.memory_space<vmem>>, vector<1024x128xf32>
    tpu.vector_store %arg11[%swap3A_363, %swap3A_364], %add3A_362 {strides = array<i32>} : memref<1024x128xf32, #tpu.memory_space<vmem>>, vector<1024x128xf32>,
    %eq3A_366 = arith.constant 24 : i32
    %eq3A_367 = arith.cmpi eq, %arg0, %eq3A_366 : i32
    %convert_element_type3A_368 = arith.extui %eq3A_367 : i1 to i32
    %cond3A_369 = arith.constant 0 : i32
    %cond3A_370 = arith.cmpi ne, %convert_element_type3A_368, %cond3A_369 : i32
    scf.if %cond3A_370 {
      %get3A_371 = arith.constant 0 : index
      %get3A_372 = arith.constant 0 : index
      %get3A_373 = vector.load %arg3[%get3A_371, %get3A_372] : memref<1024x256xbf16, #tpu.memory_space<vmem>>, vector<1024x128xbf16>
      %convert_element_type3A_374 = arith.extf %get3A_373 : vector<1024x128xbf16> to vector<1024x128xf32>
      %get3A_375 = arith.constant 0 : index
      %get3A_376 = arith.constant 128 : index
      %get3A_377 = vector.load %arg3[%get3A_375, %get3A_376] : memref<1024x256xbf16, #tpu.memory_space<vmem>>, vector<1024x128xbf16>
      %convert_element_type3A_378 = arith.extf %get3A_377 : vector<1024x128xbf16> to vector<1024x128xf32>
      %get3A_379 = arith.constant 0 : index
      %get3A_380 = arith.constant 0 : index
      %get3A_381 = vector.load %arg9[%get3A_379, %get3A_380] : memref<1024x128xf32, #tpu.memory_space<vmem>>, vector<1024x128xf32>
      %div3A = arith.constant 1.000000e+00 : f32
      %div3A_382 = vector.broadcast %div3A : f32 to vector<1024x128xf32>
      %div3A_383 = arith.divf %div3A_382, %get3A_381 : vector<1024x128xf32>
      %get3A_384 = arith.constant 0 : index
      %get3A_385 = arith.constant 0 : index
      %get3A_386 = vector.load %arg10[%get3A_384, %get3A_385] : memref<1024x128xf32, #tpu.memory_space<vmem>>, vector<1024x128xf32>
      %mul3A_387 = arith.mulf %get3A_386, %div3A_383 : vector<1024x128xf32>
      %get3A_388 = arith.constant 0 : index
      %get3A_389 = arith.constant 0 : index
      %get3A_390 = vector.load %arg11[%get3A_388, %get3A_389] : memref<1024x128xf32, #tpu.memory_space<vmem>>, vector<1024x128xf32>
      %mul3A_391 = arith.mulf %get3A_390, %div3A_383 : vector<1024x128xf32>
      %get3A_392 = arith.constant 0 : index
      %get3A_393 = arith.constant 0 : index
      %get3A_394 = vector.load %arg5[%get3A_392, %get3A_393] : memref<512x128xf32, #tpu.memory_space<vmem>>, vector<128x128xf32>
      %dot_general3A_395 = arith.constant dense<0.000000e+00> : vector<1024x128xf32>
      %dot_general3A_396 = tpu.matmul %mul3A_387, %get3A_394, %dot_general3A_395 {dimension_numbers = #tpu.dot_dimension_numbers<[1], [0], [0], [1], [0, 0, 1, 1], [], []>, transpose_lhs_hint = false} : vector<1024x128xf32>, vector<128x128xf32>, vector<1024x128xf32> -> vector<1024x128xf32>
      %get3A_397 = arith.constant 128 : index
      %get3A_398 = arith.constant 0 : index
      %get3A_399 = vector.load %arg5[%get3A_397, %get3A_398] : memref<512x128xf32, #tpu.memory_space<vmem>>, vector<128x128xf32>
      %dot_general3A_400 = arith.constant dense<0.000000e+00> : vector<1024x128xf32>
      %dot_general3A_401 = tpu.matmul %mul3A_391, %get3A_399, %dot_general3A_400 {dimension_numbers = #tpu.dot_dimension_numbers<[1], [0], [0], [1], [0, 0, 1, 1], [], []>, transpose_lhs_hint = false} : vector<1024x128xf32>, vector<128x128xf32>, vector<1024x128xf32> -> vector<1024x128xf32>
      %add3A_402 = arith.addf %dot_general3A_396, %dot_general3A_401 : vector<1024x128xf32>
      %get3A_403 = arith.constant 256 : index
      %get3A_404 = arith.constant 0 : index
      %get3A_405 = vector.load %arg5[%get3A_403, %get3A_404] : memref<512x128xf32, #tpu.memory_space<vmem>>, vector<128x128xf32>
      %dot_general3A_406 = arith.constant dense<0.000000e+00> : vector<1024x128xf32>
      %dot_general3A_407 = tpu.matmul %convert_element_type3A_374, %get3A_405, %dot_general3A_406 {dimension_numbers = #tpu.dot_dimension_numbers<[1], [0], [0], [1], [0, 0, 1, 1], [], []>, transpose_lhs_hint = false} : vector<1024x128xf32>, vector<128x128xf32>, vector<1024x128xf32> -> vector<1024x128xf32>
      %add3A_408 = arith.addf %add3A_402, %dot_general3A_407 : vector<1024x128xf32>
      %get3A_409 = arith.constant 384 : index
      %get3A_410 = arith.constant 0 : index
      %get3A_411 = vector.load %arg5[%get3A_409, %get3A_410] : memref<512x128xf32, #tpu.memory_space<vmem>>, vector<128x128xf32>
      %dot_general3A_412 = arith.constant dense<0.000000e+00> : vector<1024x128xf32>
      %dot_general3A_413 = tpu.matmul %convert_element_type3A_378, %get3A_411, %dot_general3A_412 {dimension_numbers = #tpu.dot_dimension_numbers<[1], [0], [0], [1], [0, 0, 1, 1], [], []>, transpose_lhs_hint = false} : vector<1024x128xf32>, vector<128x128xf32>, vector<1024x128xf32> -> vector<1024x128xf32>
      %add3A_414 = arith.addf %add3A_408, %dot_general3A_413 : vector<1024x128xf32>
      %tanh3A = math.tanh %add3A_414 : vector<1024x128xf32>
      %get3A_415 = arith.constant 0 : index
      %get3A_416 = arith.constant 0 : index
      %get3A_417 = vector.load %arg6[%get3A_415, %get3A_416] : memref<128x2xf32, #tpu.memory_space<vmem>>, vector<128x2xf32>
      %dot_general3A_418 = arith.constant dense<0.000000e+00> : vector<1024x2xf32>
      %dot_general3A_419 = tpu.matmul %tanh3A, %get3A_417, %dot_general3A_418 {dimension_numbers = #tpu.dot_dimension_numbers<[1], [0], [0], [1], [0, 0, 1, 1], [], []>, transpose_lhs_hint = false} : vector<1024x128xf32>, vector<128x2xf32>, vector<1024x2xf32> -> vector<1024x2xf32>
      %get3A_420 = arith.constant 0 : index
      %get3A_421 = arith.constant 0 : index
      %get3A_422 = vector.load %arg7[%get3A_420, %get3A_421] : memref<1x2xf32, #tpu.memory_space<vmem>>, vector<1x2xf32>
      %add3A_423 = vector.broadcast %get3A_422 : vector<1x2xf32> to vector<1024x2xf32>
      %add3A_424 = arith.addf %dot_general3A_419, %add3A_423 : vector<1024x2xf32>
      %reduce_max3A = arith.constant dense<0xFF800000> : vector<1024xf32>
      %reduce_max3A_425 = vector.multi_reduction <maximumf>, %add3A_424, %reduce_max3A [1] : vector<1024x2xf32> to vector<1024xf32>
      %broadcast_in_dim3A = vector.shape_cast %reduce_max3A_425 : vector<1024xf32> to vector<1024x1xf32>
      %sub3A = vector.broadcast %broadcast_in_dim3A : vector<1024x1xf32> to vector<1024x2xf32>
      %sub3A_426 = arith.subf %add3A_424, %sub3A : vector<1024x2xf32>
      %exp3A_427 = math.exp %sub3A_426 : vector<1024x2xf32>
      %reduce_sum3A = arith.constant dense<0.000000e+00> : vector<1024xf32>
      %reduce_sum3A_428 = vector.multi_reduction <add>, %exp3A_427, %reduce_sum3A [1] : vector<1024x2xf32> to vector<1024xf32>
      %broadcast_in_dim3A_429 = vector.shape_cast %reduce_sum3A_428 : vector<1024xf32> to vector<1024x1xf32>
      %div3A_430 = vector.broadcast %broadcast_in_dim3A_429 : vector<1024x1xf32> to vector<1024x2xf32>
      %div3A_431 = arith.divf %exp3A_427, %div3A_430 : vector<1024x2xf32>
      %swap3A_432 = arith.constant 0 : index
      %swap3A_433 = arith.constant 0 : index
      %swap3A_434 = vector.load %arg8[%swap3A_432, %swap3A_433] : memref<1024x2xf32, #tpu.memory_space<vmem>>, vector<1024x2xf32>
      tpu.vector_store %arg8[%swap3A_432, %swap3A_433], %div3A_431 {strides = array<i32>} : memref<1024x2xf32, #tpu.memory_space<vmem>>, vector<1024x2xf32>,
    } else {
    }
    return
  }
  func.func @transform_0(%arg0: i32) -> (i32, i32, i32) {
    %c0_i32 = arith.constant 0 : i32
    %c0_i32_0 = arith.constant 0 : i32
    %c0_i32_1 = arith.constant 0 : i32
    return %arg0, %c0_i32, %c0_i32_0 : i32, i32, i32
  }
  func.func @transform_1(%arg0: i32) -> (i32, i32, i32) {
    %c0_i32 = arith.constant 0 : i32
    %c0_i32_0 = arith.constant 0 : i32
    %c0_i32_1 = arith.constant 0 : i32
    return %arg0, %c0_i32, %c0_i32_0 : i32, i32, i32
  }
  func.func @transform_2(%arg0: i32) -> (i32, i32) {
    %c0_i32 = arith.constant 0 : i32
    %c0_i32_0 = arith.constant 0 : i32
    %c0_i32_1 = arith.constant 0 : i32
    return %c0_i32, %c0_i32_0 : i32, i32
  }
  func.func @transform_3(%arg0: i32) -> (i32, i32) {
    %c0_i32 = arith.constant 0 : i32
    %c0_i32_0 = arith.constant 0 : i32
    %c0_i32_1 = arith.constant 0 : i32
    return %c0_i32, %c0_i32_0 : i32, i32
  }
  func.func @transform_4(%arg0: i32) -> (i32, i32) {
    %c0_i32 = arith.constant 0 : i32
    %c0_i32_0 = arith.constant 0 : i32
    %c0_i32_1 = arith.constant 0 : i32
    return %c0_i32, %c0_i32_0 : i32, i32
  }
  func.func @transform_5(%arg0: i32) -> (i32, i32) {
    %c0_i32 = arith.constant 0 : i32
    %c0_i32_0 = arith.constant 0 : i32
    %c0_i32_1 = arith.constant 0 : i32
    return %c0_i32, %c0_i32_0 : i32, i32
  }
  func.func @transform_6(%arg0: i32) -> (i32, i32) {
    %c0_i32 = arith.constant 0 : i32
    %c0_i32_0 = arith.constant 0 : i32
    %c0_i32_1 = arith.constant 0 : i32
    return %c0_i32, %c0_i32_0 : i32, i32
  }
  func.func @transform_7(%arg0: i32) -> (i32, i32) {
    %c0_i32 = arith.constant 0 : i32
    %c0_i32_0 = arith.constant 0 : i32
    %c0_i32_1 = arith.constant 0 : i32
    return %c0_i32, %c0_i32_0 : i32, i32
  }
}

</mosaic_0001>

<sc_bundles>
// kernel: kernel.5.cloned.1.call-start
scs
__scs_entry_jumppad:
0x0: {  	(pc) =	sbr.rel $0x88, $3  }
0x1: {  	(tag) =	ssettag $0x0;
	lr =	simm.s32 $0x1  }
0x2: {  	[smem:$0x3F96] =	sst lr;
	_ =	strace $0xD0000000  }
0x3: {  	_ = 	snop  }
0x4: {  	_ = 	snop  }
0x5: {  	_ = 	snop  }
0x6: {  	_ = 	snop  }
0x7: {  	_ = 	snop  }
__scs_overlays_trampoline_lowered:
0x8: {  	[smem:$0x3FA5] =	sst s0  }
0x9: {  	[smem:$0x3FA6] =	sst s1  }
0xa: {  	[smem:$0x3FA7] =	sst s2  }
0xb: {  	[smem:$0x3FA8] =	sst s3  }
0xc: {  	[smem:$0x3FA9] =	sst s4  }
0xd: {  	[smem:$0x3FAA] =	sst s5  }
0xe: {  	[smem:$0x3FAB] =	sst s6  }
0xf: {  	[smem:$0x3FAC] =	sst s7  }
0x10: {  	[smem:$0x3FAD] =	sst s8  }
0x11: {  	[smem:$0x3FAE] =	sst s9;
	s0 =	simm.s32 @!p0 $0x0  }
0x12: {  	s1 =	sld [smem:$0x3F94];
	s0 =	simm.s32 @p0 $0x1  }
0x13: {  	[smem:$0x3FAF] =	sst s0;
	s0 =	simm.s32 @!p1 $0x0  }
0x14: {  	s2 =	sld [smem:$0x3F93];
	s0 =	simm.s32 @p1 $0x1  }
0x15: {  	[smem:$0x3FB0] =	sst s0;
	s0 =	simm.s32 @!p2 $0x0  }
0x16: {  	s3 =	sld [smem:$0x3FDB];
	s0 =	simm.s32 @p2 $0x1  }
0x17: {  	s4 =	simm.s32 $0x1BF5;
	[smem:$0x3FB2] =	sst s0  }
0x18: {  	s0 =	sld [smem:$0x3F95];
	_ =	swait.ge [sflag:s4], $0x0  }
0x19: {  	s7 =	sld [smem:$0x3F96]  }
0x1a: {  	s8 =	sadd.s32 $0xFFFFE003, lr  }
0x1b: {  	s9 =	sadd.s32 $0xFFFFFEF7, lr;
	s5 =	simm.s32 $0xFFFFFFFF;
	p2 =	slt.u32 s8, $0xFFFFF086  }
0x1c: {  	p1 =	slt.u32 s9, $0xF7A;
	s5 =	simm.s32 @!p2 $0x0  }
0x1d: {  	s5 =	simm.s32 @p1 $0x1;
	p0 =	seq.s32 s7, s2  }
0x1e: {  	s7 =	smul.u32 @!p0 $0xF7A, s2;
	p2 =	seq.s32 @!p0 s5, $0x0  }
0x1f: {  	s9 =	smul.u32 $0xF7A, s1;
	s8 =	simm.s32 @!p0 $0x1BF5;
	p2 =	por !p2, p0  }
0x20: {  	[sflag:s8] =	ssyncset.s32 @!p0 $0xFFFFF086;
	s6 =	sadd.s32 @!p0 s3, s7;
	s7 =	simm.s32 @!p0 $0x108  }
0x21: {  	s3 =	sadd.s32 s3, s9;
	s6 =	sadd.s32 @!p0 $0x88, s6;
	s7 =	simm.s32 @p2 $0x1082  }
0x22: {  	[simem:s7], [sflag:s8] =	dma.local @!p0 [hbm:s6], $0xF7A  }
0x23: {  	s9 =	sor.u32 $0xD0000000, s2;
	s6 =	simm.s32 $0x108;
	_ =	swait.ge @!p0 [sflag:s8], $0x0  }
0x24: {  	s3 =	sadd.s32 $0x88, s3;
	s6 =	simm.s32 @!p1 $0x1082;
	[sflag:s4] =	ssyncset.s32 $0xFFFFF086  }
0x25: {  	[simem:s6], [sflag:s4] =	dma.local [hbm:s3], $0xF7A  }
0x26: {  	[smem:$0x3F96] =	sst s1;
	(tag) =	ssettag s2;
	_ =	strace s9  }
0x27: {  	s1 =	sld [smem:$0x3FA6]  }
0x28: {  	s2 =	sld [smem:$0x3FA7]  }
0x29: {  	s4 =	sld [smem:$0x3FA9]  }
0x2a: {  	p0 =	seq.s32 s5, $0x0;
	s5 =	sld [smem:$0x3FAA]  }
0x2b: {  	s6 =	sld [smem:$0x3FAB]  }
0x2c: {  	s7 =	sld [smem:$0x3FAC]  }
0x2d: {  	s3 =	simm.s32 $0x108;
	s8 =	sld [smem:$0x3FAD]  }
0x2e: {  	s3 =	simm.s32 @!p0 $0x1082;
	s9 =	sld [smem:$0x3FAE]  }
0x2f: {  	lr =	sadd.s32 s0, s3;
	s0 =	sld [smem:$0x3FA5]  }
0x30: {  	s3 =	sld [smem:$0x3FA8]  }
0x31: {  	[smem:$0x3FB1] =	sst s10  }
0x32: {  	s10 =	sld [smem:$0x3FAF];
	_ =	sdelay $0x3  }
0x33: {  	p0 =	seq.s32 s10, $0x1;
	s10 =	sld [smem:$0x3FB1];
	_ =	sdelay $0x3  }
0x34: {  	[smem:$0x3FB1] =	sst s10  }
0x35: {  	s10 =	sld [smem:$0x3FB0];
	_ =	sdelay $0x3  }
0x36: {  	p1 =	seq.s32 s10, $0x1;
	s10 =	sld [smem:$0x3FB1];
	_ =	sdelay $0x3  }
0x37: {  	[smem:$0x3FB1] =	sst s10  }
0x38: {  	s10 =	sld [smem:$0x3FB2]  }
0x39: {  	_ = 	snop;
	(pc) =	sbr.ind lr, $3  }
0x3a: {  	_ = 	snop  }
0x3b: {  	_ = 	snop  }
0x3c: {  	p2 =	seq.s32 s10, $0x1;
	s10 =	sld [smem:$0x3FB1]  }
0x3d: {  	_ =	shalt  }
0x3e: {  	_ =	shalt  }
0x3f: {  	_ =	shalt  }
0x40: {  	_ =	shalt  }
0x41: {  	_ =	shalt  }
0x42: {  	_ =	shalt  }
0x43: {  	_ =	shalt  }
0x44: {  	_ =	shalt  }
0x45: {  	_ =	shalt  }
0x46: {  	_ =	shalt  }
0x47: {  	_ =	shalt  }
0x48: {  	_ =	shalt  }
0x49: {  	_ =	shalt  }
0x4a: {  	_ =	shalt  }
0x4b: {  	_ =	shalt  }
0x4c: {  	_ =	shalt  }
0x4d: {  	_ =	shalt  }
0x4e: {  	_ =	shalt  }
0x4f: {  	_ =	shalt  }
0x50: {  	_ =	shalt  }
0x51: {  	_ =	shalt  }
0x52: {  	_ =	shalt  }
0x53: {  	_ =	shalt  }
0x54: {  	_ =	shalt  }
0x55: {  	_ =	shalt  }
0x56: {  	_ =	shalt  }
0x57: {  	_ =	shalt  }
0x58: {  	_ =	shalt  }
0x59: {  	_ =	shalt  }
0x5a: {  	_ =	shalt  }
0x5b: {  	_ =	shalt  }
0x5c: {  	_ =	shalt  }
0x5d: {  	_ =	shalt  }
0x5e: {  	_ =	shalt  }
0x5f: {  	_ =	shalt  }
0x60: {  	_ =	shalt  }
0x61: {  	_ =	shalt  }
0x62: {  	_ =	shalt  }
0x63: {  	_ =	shalt  }
0x64: {  	_ =	shalt  }
0x65: {  	_ =	shalt  }
0x66: {  	_ =	shalt  }
0x67: {  	_ =	shalt  }
0x68: {  	_ =	shalt  }
0x69: {  	_ =	shalt  }
0x6a: {  	_ =	shalt  }
0x6b: {  	_ =	shalt  }
0x6c: {  	_ =	shalt  }
0x6d: {  	_ =	shalt  }
0x6e: {  	_ =	shalt  }
0x6f: {  	_ =	shalt  }
0x70: {  	_ =	shalt  }
0x71: {  	_ =	shalt  }
0x72: {  	_ =	shalt  }
0x73: {  	_ =	shalt  }
0x74: {  	_ =	shalt  }
0x75: {  	_ =	shalt  }
0x76: {  	_ =	shalt  }
0x77: {  	_ =	shalt  }
0x78: {  	_ =	shalt  }
0x79: {  	_ =	shalt  }
0x7a: {  	_ =	shalt  }
0x7b: {  	_ =	shalt  }
0x7c: {  	_ =	shalt  }
0x7d: {  	_ =	shalt  }
0x7e: {  	_ =	shalt  }
0x7f: {  	_ =	shalt  }
0x80: {  	_ =	shalt  }
0x81: {  	_ =	shalt  }
0x82: {  	_ =	shalt  }
0x83: {  	_ =	shalt  }
0x84: {  	_ =	shalt  }
0x85: {  	_ =	shalt  }
0x86: {  	_ =	shalt  }
0x87: {  	_ =	shalt  }
.Lfunc_end0:
.L_simem_size_0:
called_computation_lowered:
.L_overlay_start_0:
0x88: {  	s2 =	sld [smem:$0x3FD9]  }
0x89: {  	s3 =	sld [smem:$0x3FFE];
	_ =	sdelay $0x1  }
0x8a: {  	s1 =	srdreg.scid  }
0x8b: {  	s0 =	sand.u32 $0x1, s1  }
0x8c: {  	s16 =	sshll.u32 s0, $0xA;
	s2 =	sadd.s32 s3, s2  }
0x8d: {  	s2 =	sadd.s32 s2, s16  }
0x8e: {  	[smem:$0x3FBD] =	sst s2  }
0x8f: {  	_ = 	snop  }
0x90: {  	(tm) =	ssettm $0x1  }
0x91: {  	s17 =	sld [smem:$0x3FFB];
	_ =	sdelay $0x3  }
0x92: {  	_ =	strace s17  }
0x93: {  	s2 =	sld [smem:$0x3FFC];
	_ =	sdelay $0x3  }
0x94: {  	_ =	strace s2  }
0x95: {  	s2 =	sld [smem:$0x3FFD];
	_ =	sdelay $0x3  }
0x96: {  	_ =	strace s2  }
0x97: {  	_ =	strace $0x8FFFFFFF  }
0x98: {  	s18 =	sld [smem:$0x3FDB];
	_ =	sdelay $0x1  }
0x99: {  	s19 =	simm.s32 $_scs_section_size  }
0x9a: {  	s4 =	simm.s32 $_size__tile_overlayer_lowered;
	s5 =	simm.s32 $_tile_overlayer_lowered  }
0x9b: {  	s22 =	simm.s32 $0x1BFF;
	s21 =	sshll.u32 s5, $0x1;
	s2 =	sadd.s32 s19, s18  }
0x9c: {  	s6 =	simm.s32 $0x0;
	s20 =	sshll.u32 s4, $0x1;
	s4 =	sadd.s32 s21, s2  }
0x9d: {  	[timem:s6], [sflag:s22] =	dma.local [hbm:s4], s20  }
0x9e: {  	_ =	swait.ge [sflag:s22], s20  }
0x9f: {  	s3 =	ssub.s32 $0x0, s20;
	[sflag:s22] =	ssyncset.done $0x0  }
0xa0: {  	[sflag:s22] =	ssyncadd.s32 s3;
	_ =	sdelay $0x1  }
0xa1: {  	s23 =	simm.s32 $0x1B8B  }
0xa2: {  	_ =	swait.ge [sflag:s23], $0x1  }
0xa3: {  	[sflag:s23] =	ssyncset.done $0x0  }
0xa4: {  	s25 =	simm.s32 $0x1B8E;
	s24 =	sld [smem:$0x3FFE];
	[sflag:s23] =	ssyncadd.s32 $0xFFFFFFFF  }
0xa5: {  	s26 =	simm.s32 $execute0_lowered;
	[smem:$0x3FD2] =	sst s25  }
0xa6: {  	s4 =	sshll.u32 s26, $0x1;
	_ =	strace $0x80000046;
	[dreg:$0x1] =	wrdreg $0xFFFFFFFF  }
0xa7: {  	s28 =	simm.s32 $_size_execute0_lowered;
	s2 =	sadd.s32 s2, s4;
	[dreg:$0x0] =	wrdreg $0x0  }
0xa8: {  	s4 =	sshll.u32 s28, $0x1;
	[dreg:$0x2] =	wrdreg s2  }
0xa9: {  	[dreg:$0x3] =	wrdreg s4  }
0xaa: {  	[dreg:$0x4] =	wrdreg $0xC0  }
0xab: {  	_ =	task [dreg:s6], $0x5FFFF  }
0xac: {  	[dreg:$0x1] =	wrdreg $0xFFFFFFFF  }
0xad: {  	[dreg:$0x0] =	wrdreg $0x60  }
0xae: {  	[dreg:$0x2] =	wrdreg s24  }
0xaf: {  	[dreg:$0x3] =	wrdreg $0x9  }
0xb0: {  	_ =	task.clear_ibuf [dreg:s6], $0x4FFFF;
	_ =	strace $0x90000046  }
0xb1: {  	s29 =	simm.s32 $0x9;
	_ =	strace $0x80000048  }
0xb2: {  	_ =	swait.ge [sflag:s29], $0x1  }
0xb3: {  	[sflag:s29] =	ssyncadd.s32 $0xFFFFFFFF  }
0xb4: {  	_ =	strace $0x90000048  }
0xb5: {  	_ =	sfence  }
0xb6: {  	s30 =	sld [smem:$0x0];
	_ =	sdelay $0x2  }
0xb7: {  	s31 =	sshll.u32 s1, $0xD;
	s1 =	sshrl.u32 s1, $0x2  }
0xb8: {  	s3 =	sand.u32 $0x4000, s31;
	s1 =	sadd.s32 s1, s30  }
0xb9: {  	s0 =	sor.u32 s3, s0;
	s1 =	sshll.u32 s1, $0x11  }
0xba: {  	s0 =	sor.u32 s1, s0  }
0xbb: {  	s0 =	sadd.s32 $0x8F2B, s0  }
0xbc: {  	[sflag:s0] =	ssyncadd.remote.s32 $0x1  }
0xbd: {  	_ =	sfence.sel $0xFFFF  }
0xbe: {  	[dreg:$0x0] =	wrdreg $0xFFFFFFFF;
	(pc) =	sbr.abs _section_cstart, $3  }
0xbf: {  	[dreg:$0x1] =	wrdreg $0xFFFFFFFF  }
0xc0: {  	_ =	task.clear_ibuf [dreg:s6], $0x2FFFF;
	_ =	strace $0x9FFFFFFF  }
0xc1: {  	(tm) =	ssettm $0x7FFFFFFF  }
tec
execute0_lowered:
.L_overlay_start_1:
0x0: {  	(tag) =	ssettag $0x1  }
0x1: {  	s1 =	srdreg.scid;
	s0 =	stileid.u32  }
0x2: {  	s1 =	sand.u32 $0x1, s1;
	s2 =	sshll.u32 s0, $0x1  }
0x3: {  	s3 =	sor.u32 s1, s2  }
0x4: {  	s5 =	smul.u32 $0x320, s3  }
0x5: {  	s4 =	rddreg [dreg:$0x0];
	s2 =	simm.s32 $0x0;
	s6 =	smul.u32 $0xC8000, s3  }
0x6: {  	[smem:$0x7FF] =	sst s2;
	s3 =	smul.u32 $0x19000, s3  }
0x7: {  	s7 =	sadd.s32 $0x56400, s4;
	_ =	strace $0x80000047  }
0x8: {  	s5 =	sadd.s32 s5, s4;
	s6 =	sshrl.u32 s6, $0x3;
	s3 =	sadd.s32 s7, s3  }
0x9: {  	s5 =	sadd.s32 $0x1E00, s5;
	s31 =	sadd.s32 s7, s6;
	[dreg:$0x3] =	wrdreg s3  }
0xa: {  	[dreg:$0x2] =	wrdreg s5;
	s19 =	sadd.s32 $0x1900, s31  }
0xb: {  	s20 =	sadd.s32 $0x3200, s31;
	[dreg:$0x4] =	wrdreg s19  }
0xc: {  	s21 =	sadd.s32 $0x4B00, s31;
	[dreg:$0x5] =	wrdreg s20  }
0xd: {  	s22 =	sadd.s32 $0x6400, s31;
	[dreg:$0x6] =	wrdreg s21  }
0xe: {  	s23 =	sadd.s32 $0x7D00, s31;
	[dreg:$0x7] =	wrdreg s22  }
0xf: {  	s24 =	sadd.s32 $0x9600, s31;
	[dreg:$0x8] =	wrdreg s23  }
0x10: {  	[dreg:$0x9] =	wrdreg s24  }
0x11: {  	s25 =	sadd.s32 $0xAF00, s31;
	s5 =	rddreg [dreg:$0x2]  }
0x12: {  	s26 =	sadd.s32 $0xC800, s31;
	[dreg:$0xa] =	wrdreg s25  }
0x13: {  	s3 =	simm.s32 $0x3;
	[dreg:$0xb] =	wrdreg s26  }
0x14: {  	[tilespmem:s2], [sflag:$0x3] =	stream.linear.gather [hbm4b:s5+s2], $0x1900, $0x38;
	[tilespmem:$0x1A900] =	vst v63  }
0x15: {  	_ =	swait.ge [sflag:s3], $0x1900  }
0x16: {  	s4 =	sadd.s32 $0x8200, s4;
	[sflag:s3] =	ssyncset.done $0x0  }
0x17: {  	s6 =	simm.s32 $0x1900;
	s5 =	simm.s32 $0x190;
	[sflag:s3] =	ssyncadd.s32 $0xFFFFE700  }
0x18: {  	[tilespmem:s6], [sflag:$0x1] =	stream.indirect.gather [hbm4b:s4+s5], $0x80, s2, s5, $0xb8;
	[tilespmem:$0x1A900] =	vst v63  }
0x19: {  	s8 =	simm.s32 $0x1;
	s7 =	simm.s32 $0xE100  }
0x1a: {  	[tilespmem:s7], [sflag:$0x2] =	stream.indirect.gather [hbm4b:s4+s5], $0x80, s5, s5, $0xb8;
	[tilespmem:$0x1A900] =	vst v63  }
0x1b: {  	_ =	swait.ge [sflag:s8], $0xC800  }
0x1c: {  	[sflag:s8] =	ssyncset.done $0x0  }
0x1d: {  	s9 =	rddreg [dreg:$0x3];
	[sflag:s8] =	ssyncadd.s32 $0xFFFF3800  }
0x1e: {  	[hbm4b:s9+s2] =	stream.linear.scatter [tilespmem:s6], [sflag:$0x3], $0xC800, $0x38;
	[tilespmem:$0x1A900] =	vst v63  }
0x1f: {  	_ =	swait.ge [sflag:s3], $0xC800  }
0x20: {  	[sflag:s3] =	ssyncset.done $0x0  }
0x21: {  	s10 =	simm.s32 $0x2;
	s9 =	simm.s32 $0x320;
	[sflag:s3] =	ssyncadd.s32 $0xFFFF3800  }
0x22: {  	[tilespmem:s6], [sflag:$0x1] =	stream.indirect.gather [hbm4b:s4+s5], $0x80, s9, s5, $0xb8;
	[tilespmem:$0x1A900] =	vst v63  }
0x23: {  	_ =	swait.ge [sflag:s10], $0xC800  }
0x24: {  	[sflag:s10] =	ssyncset.done $0x0  }
0x25: {  	s11 =	rddreg [dreg:$0x4];
	[sflag:s10] =	ssyncadd.s32 $0xFFFF3800  }
0x26: {  	[hbm4b:s11+s2] =	stream.linear.scatter [tilespmem:s7], [sflag:$0x3], $0xC800, $0x38;
	[tilespmem:$0x1A900] =	vst v63  }
0x27: {  	_ =	swait.ge [sflag:s3], $0xC800  }
0x28: {  	[sflag:s3] =	ssyncset.done $0x0  }
0x29: {  	s11 =	simm.s32 $0x4B0;
	[sflag:s3] =	ssyncadd.s32 $0xFFFF3800  }
0x2a: {  	[tilespmem:s7], [sflag:$0x2] =	stream.indirect.gather [hbm4b:s4+s5], $0x80, s11, s5, $0xb8;
	[tilespmem:$0x1A900] =	vst v63  }
0x2b: {  	_ =	swait.ge [sflag:s8], $0xC800  }
0x2c: {  	[sflag:s8] =	ssyncset.done $0x0  }
0x2d: {  	s12 =	rddreg [dreg:$0x5];
	[sflag:s8] =	ssyncadd.s32 $0xFFFF3800  }
0x2e: {  	[hbm4b:s12+s2] =	stream.linear.scatter [tilespmem:s6], [sflag:$0x3], $0xC800, $0x38;
	[tilespmem:$0x1A900] =	vst v63  }
0x2f: {  	_ =	swait.ge [sflag:s3], $0xC800  }
0x30: {  	[sflag:s3] =	ssyncset.done $0x0  }
0x31: {  	s12 =	simm.s32 $0x640;
	[sflag:s3] =	ssyncadd.s32 $0xFFFF3800  }
0x32: {  	[tilespmem:s6], [sflag:$0x1] =	stream.indirect.gather [hbm4b:s4+s5], $0x80, s12, s5, $0xb8;
	[tilespmem:$0x1A900] =	vst v63  }
0x33: {  	_ =	swait.ge [sflag:s10], $0xC800  }
0x34: {  	[sflag:s10] =	ssyncset.done $0x0  }
0x35: {  	s13 =	rddreg [dreg:$0x6];
	[sflag:s10] =	ssyncadd.s32 $0xFFFF3800  }
0x36: {  	[hbm4b:s13+s2] =	stream.linear.scatter [tilespmem:s7], [sflag:$0x3], $0xC800, $0x38;
	[tilespmem:$0x1A900] =	vst v63  }
0x37: {  	_ =	swait.ge [sflag:s3], $0xC800  }
0x38: {  	[sflag:s3] =	ssyncset.done $0x0  }
0x39: {  	s13 =	simm.s32 $0x7D0;
	[sflag:s3] =	ssyncadd.s32 $0xFFFF3800  }
0x3a: {  	[tilespmem:s7], [sflag:$0x2] =	stream.indirect.gather [hbm4b:s4+s5], $0x80, s13, s5, $0xb8;
	[tilespmem:$0x1A900] =	vst v63  }
0x3b: {  	_ =	swait.ge [sflag:s8], $0xC800  }
0x3c: {  	[sflag:s8] =	ssyncset.done $0x0  }
0x3d: {  	s14 =	rddreg [dreg:$0x7];
	[sflag:s8] =	ssyncadd.s32 $0xFFFF3800  }
0x3e: {  	[hbm4b:s14+s2] =	stream.linear.scatter [tilespmem:s6], [sflag:$0x3], $0xC800, $0x38;
	[tilespmem:$0x1A900] =	vst v63  }
0x3f: {  	_ =	swait.ge [sflag:s3], $0xC800  }
0x40: {  	[sflag:s3] =	ssyncset.done $0x0  }
0x41: {  	s14 =	simm.s32 $0x960;
	[sflag:s3] =	ssyncadd.s32 $0xFFFF3800  }
0x42: {  	[tilespmem:s6], [sflag:$0x1] =	stream.indirect.gather [hbm4b:s4+s5], $0x80, s14, s5, $0xb8;
	[tilespmem:$0x1A900] =	vst v63  }
0x43: {  	_ =	swait.ge [sflag:s10], $0xC800  }
0x44: {  	[sflag:s10] =	ssyncset.done $0x0  }
0x45: {  	s15 =	rddreg [dreg:$0x8];
	[sflag:s10] =	ssyncadd.s32 $0xFFFF3800  }
0x46: {  	[hbm4b:s15+s2] =	stream.linear.scatter [tilespmem:s7], [sflag:$0x3], $0xC800, $0x38;
	[tilespmem:$0x1A900] =	vst v63  }
0x47: {  	_ =	swait.ge [sflag:s3], $0xC800  }
0x48: {  	[sflag:s3] =	ssyncset.done $0x0  }
0x49: {  	s15 =	simm.s32 $0xAF0;
	[sflag:s3] =	ssyncadd.s32 $0xFFFF3800  }
0x4a: {  	[tilespmem:s7], [sflag:$0x2] =	stream.indirect.gather [hbm4b:s4+s5], $0x80, s15, s5, $0xb8;
	[tilespmem:$0x1A900] =	vst v63  }
0x4b: {  	_ =	swait.ge [sflag:s8], $0xC800  }
0x4c: {  	[sflag:s8] =	ssyncset.done $0x0  }
0x4d: {  	s16 =	rddreg [dreg:$0x9];
	[sflag:s8] =	ssyncadd.s32 $0xFFFF3800  }
0x4e: {  	[hbm4b:s16+s2] =	stream.linear.scatter [tilespmem:s6], [sflag:$0x3], $0xC800, $0x38;
	[tilespmem:$0x1A900] =	vst v63  }
0x4f: {  	_ =	swait.ge [sflag:s3], $0xC800  }
0x50: {  	[sflag:s3] =	ssyncset.done $0x0  }
0x51: {  	s16 =	simm.s32 $0xC80;
	[sflag:s3] =	ssyncadd.s32 $0xFFFF3800  }
0x52: {  	[tilespmem:s6], [sflag:$0x1] =	stream.indirect.gather [hbm4b:s4+s5], $0x80, s16, s5, $0xb8;
	[tilespmem:$0x1A900] =	vst v63  }
0x53: {  	_ =	swait.ge [sflag:s10], $0xC800  }
0x54: {  	[sflag:s10] =	ssyncset.done $0x0  }
0x55: {  	s17 =	rddreg [dreg:$0xa];
	[sflag:s10] =	ssyncadd.s32 $0xFFFF3800  }
0x56: {  	[hbm4b:s17+s2] =	stream.linear.scatter [tilespmem:s7], [sflag:$0x3], $0xC800, $0x38;
	[tilespmem:$0x1A900] =	vst v63  }
0x57: {  	_ =	swait.ge [sflag:s3], $0xC800  }
0x58: {  	[sflag:s3] =	ssyncset.done $0x0  }
0x59: {  	s17 =	simm.s32 $0xE10;
	[sflag:s3] =	ssyncadd.s32 $0xFFFF3800  }
0x5a: {  	[tilespmem:s7], [sflag:$0x2] =	stream.indirect.gather [hbm4b:s4+s5], $0x80, s17, s5, $0xb8;
	[tilespmem:$0x1A900] =	vst v63  }
0x5b: {  	_ =	swait.ge [sflag:s8], $0xC800  }
0x5c: {  	[sflag:s8] =	ssyncset.done $0x0  }
0x5d: {  	s18 =	rddreg [dreg:$0xb];
	[sflag:s8] =	ssyncadd.s32 $0xFFFF3800  }
0x5e: {  	[hbm4b:s18+s2] =	stream.linear.scatter [tilespmem:s6], [sflag:$0x3], $0xC800, $0x38;
	[tilespmem:$0x1A900] =	vst v63  }
0x5f: {  	_ =	swait.ge [sflag:s3], $0xC800  }
0x60: {  	[sflag:s3] =	ssyncset.done $0x0  }
0x61: {  	s18 =	simm.s32 $0xFA0;
	[sflag:s3] =	ssyncadd.s32 $0xFFFF3800  }
0x62: {  	[tilespmem:s6], [sflag:$0x1] =	stream.indirect.gather [hbm4b:s4+s5], $0x80, s18, s5, $0xb8;
	[tilespmem:$0x1A900] =	vst v63  }
0x63: {  	_ =	swait.ge [sflag:s10], $0xC800  }
0x64: {  	[sflag:s10] =	ssyncset.done $0x0  }
0x65: {  	s19 =	sadd.s32 $0xE100, s31;
	[sflag:s10] =	ssyncadd.s32 $0xFFFF3800  }
0x66: {  	[hbm4b:s19+s2] =	stream.linear.scatter [tilespmem:s7], [sflag:$0x3], $0xC800, $0x38;
	[tilespmem:$0x1A900] =	vst v63  }
0x67: {  	_ =	swait.ge [sflag:s3], $0xC800  }
0x68: {  	[sflag:s3] =	ssyncset.done $0x0  }
0x69: {  	s20 =	simm.s32 $0x1130;
	[sflag:s3] =	ssyncadd.s32 $0xFFFF3800  }
0x6a: {  	[tilespmem:s7], [sflag:$0x2] =	stream.indirect.gather [hbm4b:s4+s5], $0x80, s20, s5, $0xb8;
	[tilespmem:$0x1A900] =	vst v63  }
0x6b: {  	_ =	swait.ge [sflag:s8], $0xC800  }
0x6c: {  	[sflag:s8] =	ssyncset.done $0x0  }
0x6d: {  	s21 =	sadd.s32 $0xFA00, s31;
	[sflag:s8] =	ssyncadd.s32 $0xFFFF3800  }
0x6e: {  	[hbm4b:s21+s2] =	stream.linear.scatter [tilespmem:s6], [sflag:$0x3], $0xC800, $0x38;
	[tilespmem:$0x1A900] =	vst v63  }
0x6f: {  	_ =	swait.ge [sflag:s3], $0xC800  }
0x70: {  	[sflag:s3] =	ssyncset.done $0x0  }
0x71: {  	s22 =	simm.s32 $0x12C0;
	[sflag:s3] =	ssyncadd.s32 $0xFFFF3800  }
0x72: {  	[tilespmem:s6], [sflag:$0x1] =	stream.indirect.gather [hbm4b:s4+s5], $0x80, s22, s5, $0xb8;
	[tilespmem:$0x1A900] =	vst v63  }
0x73: {  	_ =	swait.ge [sflag:s10], $0xC800  }
0x74: {  	[sflag:s10] =	ssyncset.done $0x0  }
0x75: {  	s23 =	sadd.s32 $0x11300, s31;
	[sflag:s10] =	ssyncadd.s32 $0xFFFF3800  }
0x76: {  	[hbm4b:s23+s2] =	stream.linear.scatter [tilespmem:s7], [sflag:$0x3], $0xC800, $0x38;
	[tilespmem:$0x1A900] =	vst v63  }
0x77: {  	_ =	swait.ge [sflag:s3], $0xC800  }
0x78: {  	[sflag:s3] =	ssyncset.done $0x0  }
0x79: {  	s24 =	simm.s32 $0x1450;
	[sflag:s3] =	ssyncadd.s32 $0xFFFF3800  }
0x7a: {  	[tilespmem:s7], [sflag:$0x2] =	stream.indirect.gather [hbm4b:s4+s5], $0x80, s24, s5, $0xb8;
	[tilespmem:$0x1A900] =	vst v63  }
0x7b: {  	_ =	swait.ge [sflag:s8], $0xC800  }
0x7c: {  	[sflag:s8] =	ssyncset.done $0x0  }
0x7d: {  	s25 =	sadd.s32 $0x12C00, s31;
	[sflag:s8] =	ssyncadd.s32 $0xFFFF3800  }
0x7e: {  	[hbm4b:s25+s2] =	stream.linear.scatter [tilespmem:s6], [sflag:$0x3], $0xC800, $0x38;
	[tilespmem:$0x1A900] =	vst v63  }
0x7f: {  	_ =	swait.ge [sflag:s3], $0xC800  }
0x80: {  	[sflag:s3] =	ssyncset.done $0x0  }
0x81: {  	s26 =	simm.s32 $0x15E0;
	[sflag:s3] =	ssyncadd.s32 $0xFFFF3800  }
0x82: {  	[tilespmem:s6], [sflag:$0x1] =	stream.indirect.gather [hbm4b:s4+s5], $0x80, s26, s5, $0xb8;
	[tilespmem:$0x1A900] =	vst v63  }
0x83: {  	_ =	swait.ge [sflag:s10], $0xC800  }
0x84: {  	[sflag:s10] =	ssyncset.done $0x0  }
0x85: {  	s28 =	sadd.s32 $0x14500, s31;
	[sflag:s10] =	ssyncadd.s32 $0xFFFF3800  }
0x86: {  	[hbm4b:s28+s2] =	stream.linear.scatter [tilespmem:s7], [sflag:$0x3], $0xC800, $0x38;
	[tilespmem:$0x1A900] =	vst v63  }
0x87: {  	_ =	swait.ge [sflag:s3], $0xC800  }
0x88: {  	[sflag:s3] =	ssyncset.done $0x0  }
0x89: {  	s29 =	simm.s32 $0x1770;
	[sflag:s3] =	ssyncadd.s32 $0xFFFF3800  }
0x8a: {  	[tilespmem:s7], [sflag:$0x2] =	stream.indirect.gather [hbm4b:s4+s5], $0x80, s29, s5, $0xb8;
	[tilespmem:$0x1A900] =	vst v63  }
0x8b: {  	_ =	swait.ge [sflag:s8], $0xC800  }
0x8c: {  	s1 =	ssub.s32 $0x2, s1;
	[sflag:s8] =	ssyncset.done $0x0  }
0x8d: {  	s0 =	sshrl.u32 s1, $0x1;
	s30 =	sadd.s32 $0x15E00, s31;
	[sflag:s8] =	ssyncadd.s32 $0xFFFF3800  }
0x8e: {  	[hbm4b:s30+s2] =	stream.linear.scatter [tilespmem:s6], [sflag:$0x3], $0xC800, $0x38;
	[tilespmem:$0x1A900] =	vst v63  }
0x8f: {  	s0 =	ssub.s32 s1, s0;
	_ =	swait.ge [sflag:s3], $0xC800  }
0x90: {  	s0 =	smax.u32 s0, $0x1;
	[sflag:s3] =	ssyncset.done $0x0  }
0x91: {  	p0 =	sne.s32 s0, $0x1;
	[sflag:s3] =	ssyncadd.s32 $0xFFFF3800  }
.Ltmp0:
0x92: {  	_ =	swait.ge [sflag:s10], $0xC800;
	(pc) =	sbr.rel @!p0 .LBB2_2-.Ltmp0, $4  }
0x93: {  	[sflag:s10] =	ssyncset.done $0x0  }
0x94: {  	s31 =	sadd.s32 $0x17700, s31;
	[sflag:s10] =	ssyncadd.s32 $0xFFFF3800  }
0x95: {  	[hbm4b:s31+s2] =	stream.linear.scatter [tilespmem:s7], [sflag:$0x3], $0xC800, $0x38;
	[tilespmem:$0x1A900] =	vst v63  }
0x96: {  	s1 =	sadd.s32 $0xFFFFFFFF, s0;
	_ =	swait.ge [sflag:s3], $0xC800  }
.LBB2_1:
0x97: {  	[sflag:s3] =	ssyncset.done $0x0  }
0x98: {  	s0 =	rddreg [dreg:$0x2];
	[sflag:s3] =	ssyncadd.s32 $0xFFFF3800  }
0x99: {  	[tilespmem:s2], [sflag:$0x3] =	stream.linear.gather [hbm4b:s0+s2], $0x1900, $0x38;
	[tilespmem:$0x1A900] =	vst v63  }
0x9a: {  	_ =	swait.ge [sflag:s3], $0x1900  }
0x9b: {  	[sflag:s3] =	ssyncset.done $0x0  }
0x9c: {  	[sflag:s3] =	ssyncadd.s32 $0xFFFFE700  }
0x9d: {  	[tilespmem:s6], [sflag:$0x1] =	stream.indirect.gather [hbm4b:s4+s5], $0x80, s2, s5, $0xb8;
	[tilespmem:$0x1A900] =	vst v63  }
0x9e: {  	_ = 	snop  }
0x9f: {  	[tilespmem:s7], [sflag:$0x2] =	stream.indirect.gather [hbm4b:s4+s5], $0x80, s5, s5, $0xb8;
	[tilespmem:$0x1A900] =	vst v63  }
0xa0: {  	_ =	swait.ge [sflag:s8], $0xC800  }
0xa1: {  	[sflag:s8] =	ssyncset.done $0x0  }
0xa2: {  	s0 =	rddreg [dreg:$0x3];
	[sflag:s8] =	ssyncadd.s32 $0xFFFF3800  }
0xa3: {  	[hbm4b:s0+s2] =	stream.linear.scatter [tilespmem:s6], [sflag:$0x3], $0xC800, $0x38;
	[tilespmem:$0x1A900] =	vst v63  }
0xa4: {  	_ =	swait.ge [sflag:s3], $0xC800  }
0xa5: {  	[sflag:s3] =	ssyncset.done $0x0  }
0xa6: {  	[sflag:s3] =	ssyncadd.s32 $0xFFFF3800  }
0xa7: {  	[tilespmem:s6], [sflag:$0x1] =	stream.indirect.gather [hbm4b:s4+s5], $0x80, s9, s5, $0xb8;
	[tilespmem:$0x1A900] =	vst v63  }
0xa8: {  	_ =	swait.ge [sflag:s10], $0xC800  }
0xa9: {  	[sflag:s10] =	ssyncset.done $0x0  }
0xaa: {  	s0 =	rddreg [dreg:$0x4];
	[sflag:s10] =	ssyncadd.s32 $0xFFFF3800  }
0xab: {  	[hbm4b:s0+s2] =	stream.linear.scatter [tilespmem:s7], [sflag:$0x3], $0xC800, $0x38;
	[tilespmem:$0x1A900] =	vst v63  }
0xac: {  	_ =	swait.ge [sflag:s3], $0xC800  }
0xad: {  	[sflag:s3] =	ssyncset.done $0x0  }
0xae: {  	[sflag:s3] =	ssyncadd.s32 $0xFFFF3800  }
0xaf: {  	[tilespmem:s7], [sflag:$0x2] =	stream.indirect.gather [hbm4b:s4+s5], $0x80, s11, s5, $0xb8;
	[tilespmem:$0x1A900] =	vst v63  }
0xb0: {  	_ =	swait.ge [sflag:s8], $0xC800  }
0xb1: {  	[sflag:s8] =	ssyncset.done $0x0  }
0xb2: {  	s0 =	rddreg [dreg:$0x5];
	[sflag:s8] =	ssyncadd.s32 $0xFFFF3800  }
0xb3: {  	[hbm4b:s0+s2] =	stream.linear.scatter [tilespmem:s6], [sflag:$0x3], $0xC800, $0x38;
	[tilespmem:$0x1A900] =	vst v63  }
0xb4: {  	_ =	swait.ge [sflag:s3], $0xC800  }
0xb5: {  	[sflag:s3] =	ssyncset.done $0x0  }
0xb6: {  	[sflag:s3] =	ssyncadd.s32 $0xFFFF3800  }
0xb7: {  	[tilespmem:s6], [sflag:$0x1] =	stream.indirect.gather [hbm4b:s4+s5], $0x80, s12, s5, $0xb8;
	[tilespmem:$0x1A900] =	vst v63  }
0xb8: {  	_ =	swait.ge [sflag:s10], $0xC800  }
0xb9: {  	[sflag:s10] =	ssyncset.done $0x0  }
0xba: {  	s0 =	rddreg [dreg:$0x6];
	[sflag:s10] =	ssyncadd.s32 $0xFFFF3800  }
0xbb: {  	[hbm4b:s0+s2] =	stream.linear.scatter [tilespmem:s7], [sflag:$0x3], $0xC800, $0x38;
	[tilespmem:$0x1A900] =	vst v63  }
0xbc: {  	_ =	swait.ge [sflag:s3], $0xC800  }
0xbd: {  	[sflag:s3] =	ssyncset.done $0x0  }
0xbe: {  	[sflag:s3] =	ssyncadd.s32 $0xFFFF3800  }
0xbf: {  	[tilespmem:s7], [sflag:$0x2] =	stream.indirect.gather [hbm4b:s4+s5], $0x80, s13, s5, $0xb8;
	[tilespmem:$0x1A900] =	vst v63  }
0xc0: {  	_ =	swait.ge [sflag:s8], $0xC800  }
0xc1: {  	[sflag:s8] =	ssyncset.done $0x0  }
0xc2: {  	s0 =	rddreg [dreg:$0x7];
	[sflag:s8] =	ssyncadd.s32 $0xFFFF3800  }
0xc3: {  	[hbm4b:s0+s2] =	stream.linear.scatter [tilespmem:s6], [sflag:$0x3], $0xC800, $0x38;
	[tilespmem:$0x1A900] =	vst v63  }
0xc4: {  	_ =	swait.ge [sflag:s3], $0xC800  }
0xc5: {  	[sflag:s3] =	ssyncset.done $0x0  }
0xc6: {  	[sflag:s3] =	ssyncadd.s32 $0xFFFF3800  }
0xc7: {  	[tilespmem:s6], [sflag:$0x1] =	stream.indirect.gather [hbm4b:s4+s5], $0x80, s14, s5, $0xb8;
	[tilespmem:$0x1A900] =	vst v63  }
0xc8: {  	_ =	swait.ge [sflag:s10], $0xC800  }
0xc9: {  	[sflag:s10] =	ssyncset.done $0x0  }
0xca: {  	s0 =	rddreg [dreg:$0x8];
	[sflag:s10] =	ssyncadd.s32 $0xFFFF3800  }
0xcb: {  	[hbm4b:s0+s2] =	stream.linear.scatter [tilespmem:s7], [sflag:$0x3], $0xC800, $0x38;
	[tilespmem:$0x1A900] =	vst v63  }
0xcc: {  	_ =	swait.ge [sflag:s3], $0xC800  }
0xcd: {  	[sflag:s3] =	ssyncset.done $0x0  }
0xce: {  	[sflag:s3] =	ssyncadd.s32 $0xFFFF3800  }
0xcf: {  	[tilespmem:s7], [sflag:$0x2] =	stream.indirect.gather [hbm4b:s4+s5], $0x80, s15, s5, $0xb8;
	[tilespmem:$0x1A900] =	vst v63  }
0xd0: {  	_ =	swait.ge [sflag:s8], $0xC800  }
0xd1: {  	[sflag:s8] =	ssyncset.done $0x0  }
0xd2: {  	s0 =	rddreg [dreg:$0x9];
	[sflag:s8] =	ssyncadd.s32 $0xFFFF3800  }
0xd3: {  	[hbm4b:s0+s2] =	stream.linear.scatter [tilespmem:s6], [sflag:$0x3], $0xC800, $0x38;
	[tilespmem:$0x1A900] =	vst v63  }
0xd4: {  	_ =	swait.ge [sflag:s3], $0xC800  }
0xd5: {  	[sflag:s3] =	ssyncset.done $0x0  }
0xd6: {  	[sflag:s3] =	ssyncadd.s32 $0xFFFF3800  }
0xd7: {  	[tilespmem:s6], [sflag:$0x1] =	stream.indirect.gather [hbm4b:s4+s5], $0x80, s16, s5, $0xb8;
	[tilespmem:$0x1A900] =	vst v63  }
0xd8: {  	_ =	swait.ge [sflag:s10], $0xC800  }
0xd9: {  	[sflag:s10] =	ssyncset.done $0x0  }
0xda: {  	s0 =	rddreg [dreg:$0xa];
	[sflag:s10] =	ssyncadd.s32 $0xFFFF3800  }
0xdb: {  	[hbm4b:s0+s2] =	stream.linear.scatter [tilespmem:s7], [sflag:$0x3], $0xC800, $0x38;
	[tilespmem:$0x1A900] =	vst v63  }
0xdc: {  	_ =	swait.ge [sflag:s3], $0xC800  }
0xdd: {  	[sflag:s3] =	ssyncset.done $0x0  }
0xde: {  	[sflag:s3] =	ssyncadd.s32 $0xFFFF3800  }
0xdf: {  	[tilespmem:s7], [sflag:$0x2] =	stream.indirect.gather [hbm4b:s4+s5], $0x80, s17, s5, $0xb8;
	[tilespmem:$0x1A900] =	vst v63  }
0xe0: {  	_ =	swait.ge [sflag:s8], $0xC800  }
0xe1: {  	[sflag:s8] =	ssyncset.done $0x0  }
0xe2: {  	s0 =	rddreg [dreg:$0xb];
	[sflag:s8] =	ssyncadd.s32 $0xFFFF3800  }
0xe3: {  	[hbm4b:s0+s2] =	stream.linear.scatter [tilespmem:s6], [sflag:$0x3], $0xC800, $0x38;
	[tilespmem:$0x1A900] =	vst v63  }
0xe4: {  	_ =	swait.ge [sflag:s3], $0xC800  }
0xe5: {  	[sflag:s3] =	ssyncset.done $0x0  }
0xe6: {  	[sflag:s3] =	ssyncadd.s32 $0xFFFF3800  }
0xe7: {  	[tilespmem:s6], [sflag:$0x1] =	stream.indirect.gather [hbm4b:s4+s5], $0x80, s18, s5, $0xb8;
	[tilespmem:$0x1A900] =	vst v63  }
0xe8: {  	_ =	swait.ge [sflag:s10], $0xC800  }
0xe9: {  	[sflag:s10] =	ssyncset.done $0x0  }
0xea: {  	[sflag:s10] =	ssyncadd.s32 $0xFFFF3800  }
0xeb: {  	[hbm4b:s19+s2] =	stream.linear.scatter [tilespmem:s7], [sflag:$0x3], $0xC800, $0x38;
	[tilespmem:$0x1A900] =	vst v63  }
0xec: {  	_ =	swait.ge [sflag:s3], $0xC800  }
0xed: {  	[sflag:s3] =	ssyncset.done $0x0  }
0xee: {  	[sflag:s3] =	ssyncadd.s32 $0xFFFF3800  }
0xef: {  	[tilespmem:s7], [sflag:$0x2] =	stream.indirect.gather [hbm4b:s4+s5], $0x80, s20, s5, $0xb8;
	[tilespmem:$0x1A900] =	vst v63  }
0xf0: {  	_ =	swait.ge [sflag:s8], $0xC800  }
0xf1: {  	[sflag:s8] =	ssyncset.done $0x0  }
0xf2: {  	[sflag:s8] =	ssyncadd.s32 $0xFFFF3800  }
0xf3: {  	[hbm4b:s21+s2] =	stream.linear.scatter [tilespmem:s6], [sflag:$0x3], $0xC800, $0x38;
	[tilespmem:$0x1A900] =	vst v63  }
0xf4: {  	_ =	swait.ge [sflag:s3], $0xC800  }
0xf5: {  	[sflag:s3] =	ssyncset.done $0x0  }
0xf6: {  	[sflag:s3] =	ssyncadd.s32 $0xFFFF3800  }
0xf7: {  	[tilespmem:s6], [sflag:$0x1] =	stream.indirect.gather [hbm4b:s4+s5], $0x80, s22, s5, $0xb8;
	[tilespmem:$0x1A900] =	vst v63  }
0xf8: {  	_ =	swait.ge [sflag:s10], $0xC800  }
0xf9: {  	[sflag:s10] =	ssyncset.done $0x0  }
0xfa: {  	[sflag:s10] =	ssyncadd.s32 $0xFFFF3800  }
0xfb: {  	[hbm4b:s23+s2] =	stream.linear.scatter [tilespmem:s7], [sflag:$0x3], $0xC800, $0x38;
	[tilespmem:$0x1A900] =	vst v63  }
0xfc: {  	_ =	swait.ge [sflag:s3], $0xC800  }
0xfd: {  	[sflag:s3] =	ssyncset.done $0x0  }
0xfe: {  	[sflag:s3] =	ssyncadd.s32 $0xFFFF3800  }
0xff: {  	[tilespmem:s7], [sflag:$0x2] =	stream.indirect.gather [hbm4b:s4+s5], $0x80, s24, s5, $0xb8;
	[tilespmem:$0x1A900] =	vst v63  }
0x100: {  	_ =	swait.ge [sflag:s8], $0xC800  }
0x101: {  	[sflag:s8] =	ssyncset.done $0x0  }
0x102: {  	[sflag:s8] =	ssyncadd.s32 $0xFFFF3800  }
0x103: {  	[hbm4b:s25+s2] =	stream.linear.scatter [tilespmem:s6], [sflag:$0x3], $0xC800, $0x38;
	[tilespmem:$0x1A900] =	vst v63  }
0x104: {  	_ =	swait.ge [sflag:s3], $0xC800  }
0x105: {  	[sflag:s3] =	ssyncset.done $0x0  }
0x106: {  	[sflag:s3] =	ssyncadd.s32 $0xFFFF3800  }
0x107: {  	[tilespmem:s6], [sflag:$0x1] =	stream.indirect.gather [hbm4b:s4+s5], $0x80, s26, s5, $0xb8;
	[tilespmem:$0x1A900] =	vst v63  }
0x108: {  	_ =	swait.ge [sflag:s10], $0xC800  }
0x109: {  	[sflag:s10] =	ssyncset.done $0x0  }
0x10a: {  	[sflag:s10] =	ssyncadd.s32 $0xFFFF3800  }
0x10b: {  	[hbm4b:s28+s2] =	stream.linear.scatter [tilespmem:s7], [sflag:$0x3], $0xC800, $0x38;
	[tilespmem:$0x1A900] =	vst v63  }
0x10c: {  	_ =	swait.ge [sflag:s3], $0xC800  }
0x10d: {  	[sflag:s3] =	ssyncset.done $0x0  }
0x10e: {  	[sflag:s3] =	ssyncadd.s32 $0xFFFF3800  }
0x10f: {  	[tilespmem:s7], [sflag:$0x2] =	stream.indirect.gather [hbm4b:s4+s5], $0x80, s29, s5, $0xb8;
	[tilespmem:$0x1A900] =	vst v63  }
0x110: {  	_ =	swait.ge [sflag:s8], $0xC800  }
0x111: {  	[sflag:s8] =	ssyncset.done $0x0  }
0x112: {  	[sflag:s8] =	ssyncadd.s32 $0xFFFF3800  }
0x113: {  	[hbm4b:s30+s2] =	stream.linear.scatter [tilespmem:s6], [sflag:$0x3], $0xC800, $0x38;
	[tilespmem:$0x1A900] =	vst v63  }
0x114: {  	_ =	swait.ge [sflag:s3], $0xC800  }
0x115: {  	[sflag:s3] =	ssyncset.done $0x0  }
0x116: {  	p0 =	sne.s32 s1, $0x1;
	[sflag:s3] =	ssyncadd.s32 $0xFFFF3800  }
.Ltmp1:
0x117: {  	_ =	swait.ge [sflag:s10], $0xC800;
	(pc) =	sbr.rel @p0 .LBB2_1-.Ltmp1, $4  }
0x118: {  	[sflag:s10] =	ssyncset.done $0x0  }
0x119: {  	[sflag:s10] =	ssyncadd.s32 $0xFFFF3800  }
0x11a: {  	[hbm4b:s31+s2] =	stream.linear.scatter [tilespmem:s7], [sflag:$0x3], $0xC800, $0x38;
	[tilespmem:$0x1A900] =	vst v63  }
0x11b: {  	s1 =	sadd.s32 $0xFFFFFFFF, s1;
	_ =	swait.ge [sflag:s3], $0xC800  }
.LBB2_2:
0x11c: {  	[sflag:s3] =	ssyncset.done $0x0  }
0x11d: {  	[sflag:s3] =	ssyncadd.s32 $0xFFFF3800  }
0x11e: {  	_ =	sfence.sel $0x180000  }
0x11f: {  	[bflag:$0x0] =	sbarrier.arrive $0xFFFF  }
0x120: {  	_ =	strace $0x90000047  }
0x121: {  	s0 =	stileid.u32;
	[bflag:$0x2] =	sbarrier.arrive $0xFFFF  }
0x122: {  	p0 =	sne.s32 s0, $0x0;
	s0 =	rddreg [dreg:$0x1]  }
0x123: {  	s0 =	sadd.s32 @!p0 $0x100000, s0  }
0x124: {  	[sflag:s0] =	ssyncadd.tile.s32 @!p0 $0x1;
	_ =	shalt  }
.Lfunc_end2:
_tile_overlayer_lowered:
.L_overlay_start_2:
0x125: {  	(tag) =	ssettag $0x2  }
0x126: {  	s0 =	rddreg [dreg:$0x0];
	s2 =	stileid.u32  }
0x127: {  	s1 =	rddreg [dreg:$0x1];
	p0 =	sne.s32 s2, $0x0  }
0x128: {  	s3 =	rddreg [dreg:$0x2];
	[bflag:$0x3] =	sbarrier.arrive $0xFFFF;
	s2 =	simm.s32 @!p0 $0x1C03  }
0x129: {  	[timem:s3], [sflag:s2] =	dma.local @!p0 [hbm:s0], s1  }
0x12a: {  	s0 =	simm.s32 @!p0 $0x3  }
0x12b: {  	_ =	swait.ge @!p0 [sflag:s0], s1  }
0x12c: {  	s1 =	ssub.s32 @!p0 $0x0, s1;
	[sflag:s0] =	ssyncset.done @!p0 $0x0  }
0x12d: {  	[sflag:s0] =	ssyncadd.s32 @!p0 s1  }
0x12e: {  	[bflag:$0x3] =	sbarrier.arrive $0xFFFF  }
0x12f: {  	_ =	shalt  }

</sc_bundles>
